<compile_context>
chip_gen: v7x
topology: tpu7x:2x2x1
jax: 0.10.2.dev20260603
libtpu: 0.0.44.dev20260713+nightly
codegen_flags: <defaults>
</compile_context>

<pallas_src>
import functools

import jax
import jax.numpy as jnp
from jax import lax
from jax.experimental import pallas as pl
from jax.experimental.pallas import tpu as pltpu
from jax.experimental.pallas import tpu_sc as plsc

_NUM_SLICES = 16
_SLICE_W = 256

_PERM = (7, 4, 2, 5, 3, 6, 10, 11, 15, 8, 9, 13, 14, 0, 1, 12)


def _runs(perm):
    runs, j = [], 0
    while j < len(perm):
        k = j + 1
        while k < len(perm) and perm[k] == perm[k - 1] + 1:
            k += 1
        runs.append((j, perm[j], k - j))
        j = k
    return tuple(runs)


_RUNS = _runs(_PERM)

_NC, _NS = 2, 16
_NW = _NC * _NS
_ROWS = 2 * 4096
_COLS = 4096
_RPW = _ROWS // _NW

_R = 8
_CHUNKS = _RPW // _R
_NBUF = 3

_MESH = plsc.VectorSubcoreMesh(
    core_axis_name="c", subcore_axis_name="s", num_cores=_NC, num_subcores=_NS
)


@functools.partial(
    pl.kernel,
    out_type=jax.ShapeDtypeStruct((_ROWS, _COLS), jnp.float32),
    mesh=_MESH,
    scratch_types=[
        pltpu.VMEM((_R, _COLS), jnp.float32),
        pltpu.VMEM((_R, _COLS), jnp.float32),
        pltpu.VMEM((_R, _COLS), jnp.float32),
        pltpu.SemaphoreType.DMA,
        pltpu.SemaphoreType.DMA,
        pltpu.SemaphoreType.DMA,
        pltpu.SemaphoreType.DMA,
        pltpu.SemaphoreType.DMA,
        pltpu.SemaphoreType.DMA,
    ],
    compiler_params=pltpu.CompilerParams(use_tc_tiling_on_sc=True),
)
def _shuffle(in_hbm, out_hbm, buf0, buf1, buf2, si0, si1, si2, so0, so1, so2):
    wid = lax.axis_index("c") * _NS + lax.axis_index("s")
    base = wid * _RPW
    bufs = (buf0, buf1, buf2)
    sis = (si0, si1, si2)
    sos = (so0, so1, so2)

    def start_in(c, b):
        row = base + c * _R
        for dst, src, ln in _RUNS:
            pltpu.make_async_copy(
                in_hbm.at[pl.ds(row, _R), pl.ds(src * _SLICE_W, ln * _SLICE_W)],
                bufs[b].at[:, pl.ds(dst * _SLICE_W, ln * _SLICE_W)],
                sis[b],
            ).start()

    def wait_in(c, b):
        row = base + c * _R
        pltpu.make_async_copy(in_hbm.at[pl.ds(row, _R)], bufs[b], sis[b]).wait()

    def out_copy(c, b):
        row = base + c * _R
        return pltpu.make_async_copy(bufs[b], out_hbm.at[pl.ds(row, _R)], sos[b])

    for b in range(_NBUF):
        start_in(b, b)
    wait_in(0, 0)
    out_copy(0, 0).start()

    @pl.loop(1, _CHUNKS - 4, step=_NBUF)
    def _pipe(p):
        for off in range(_NBUF):
            c = p + off
            b = (1 + off) % _NBUF
            bp = (0 + off) % _NBUF
            out_copy(c - 1, bp).wait()
            start_in(c + 2, bp)
            wait_in(c, b)
            out_copy(c, b).start()

    for c in range(_CHUNKS - 4, _CHUNKS):
        b = c % _NBUF
        bp = (c - 1) % _NBUF
        out_copy(c - 1, bp).wait()
        if c + 2 < _CHUNKS:
            start_in(c + 2, bp)
        wait_in(c, b)
        out_copy(c, b).start()
    out_copy(_CHUNKS - 1, (_CHUNKS - 1) % _NBUF).wait()


def kernel(x):
    shape = x.shape
    x2 = x.reshape(_ROWS, _COLS)
    out = _shuffle(x2)
    return out.reshape(shape)

# --- scband reference (transcript-rebuilt; emitter-appended) ---
"""Pipeline reference for scband-slice-and-shuffle-3831110828275 (READ-ONLY COPY).

The authoritative reference and input builder live on the scoring server;
editing this copy changes nothing except your own understanding.
"""

import jax, jax.numpy as jnp
import numpy as np

NUM_SLICES = 16
DIM = 2

def setup_inputs(seed: int = 0) -> dict:
    key = jax.random.key(seed)
    x = jax.random.normal(key, (2, 4096, 4096), dtype=jnp.float32)
    return {"x": x}

def reference(x):
    # SliceAndShuffle.forward_train (module defaults to training mode)
    shape = x.shape
    new_shape = shape[:DIM] + (NUM_SLICES, -1)
    x = x.reshape(new_shape)
    # torch.randperm -> fixed-key jax permutation (random shuffle of slice axis)
    perm = jax.random.permutation(jax.random.key(42), NUM_SLICES)
    x = x[:, :, perm, :]
    x = x.reshape(shape[:DIM] + (-1,))
    return x

if __name__ == "__main__":
    import jax
    _d = setup_inputs()
    print(jax.jit(kernel)(*tuple(_d.values())))

</pallas_src>

<mosaic_0001>
#map = affine_map<(d0, d1) -> (0, 0)>
module attributes {stable_mosaic.version = 14 : i64} {
  func.func @_shuffle(%arg0: i32, %arg1: i32, %arg2: memref<8192x4096xf32, #tpu.memory_space<hbm>>, %arg3: memref<8192x4096xf32, #tpu.memory_space<hbm>>, %arg4: memref<8x4096xf32, #tpu.memory_space<vmem>>, %arg5: memref<8x4096xf32, #tpu.memory_space<vmem>>, %arg6: memref<8x4096xf32, #tpu.memory_space<vmem>>, %arg7: memref<!tpu.dma_semaphore, #tpu.memory_space<semaphore_mem>>, %arg8: memref<!tpu.dma_semaphore, #tpu.memory_space<semaphore_mem>>, %arg9: memref<!tpu.dma_semaphore, #tpu.memory_space<semaphore_mem>>, %arg10: memref<!tpu.dma_semaphore, #tpu.memory_space<semaphore_mem>>, %arg11: memref<!tpu.dma_semaphore, #tpu.memory_space<semaphore_mem>>, %arg12: memref<!tpu.dma_semaphore, #tpu.memory_space<semaphore_mem>>) attributes {dimension_semantics = [#tpu.dimension_semantics<core_parallel>, #tpu.dimension_semantics<subcore_parallel>], iteration_bounds = array<i64: 2, 16>, scalar_prefetch = 0 : i64, scratch_operands = 9 : i64, tpu.core_type = #tpu.core_type<sc_vector_subcore>, window_params = [{transform_indices = #map}, {transform_indices = #map}]} {
    %mul3A = arith.constant 16 : i32
    %mul3A_0 = arith.muli %arg0, %mul3A : i32
    %add3A = arith.addi %mul3A_0, %arg1 : i32
    %mul3A_1 = arith.constant 256 : i32
    %mul3A_2 = arith.muli %add3A, %mul3A_1 : i32
    %add3A_3 = arith.constant 0 : i32
    %add3A_4 = arith.addi %mul3A_2, %add3A_3 : i32
    %dma_start3A = arith.constant 0 : i32
    %dma_start3A_5 = arith.constant 0 : i32
    %dma_start3A_6 = tpu.memref_slice %arg4[%dma_start3A, %dma_start3A_5] : memref<8x4096xf32, #tpu.memory_space<vmem>> -> memref<8x256xf32, #tpu.memory_space<vmem>>
    %dma_start3A_7 = arith.constant 1792 : i32
    %dma_start3A_8 = tpu.memref_slice %arg2[%add3A_4, %dma_start3A_7] : memref<8192x4096xf32, #tpu.memory_space<hbm>> -> memref<8x256xf32, #tpu.memory_space<hbm>>
    %dma_start3A_9 = arith.constant 0 : i32
    %dma_start3A_10 = arith.constant 0 : i32
    %dma_start3A_11 = tpu.memref_slice %arg4[%dma_start3A_9, %dma_start3A_10] : memref<8x4096xf32, #tpu.memory_space<vmem>> -> memref<8x256xf32, #tpu.memory_space<vmem>>
    %dma_start3A_12 = arith.constant 1792 : i32
    %dma_start3A_13 = tpu.memref_slice %arg2[%add3A_4, %dma_start3A_12] : memref<8192x4096xf32, #tpu.memory_space<hbm>> -> memref<8x256xf32, #tpu.memory_space<hbm>>
    tpu.enqueue_dma source(%dma_start3A_13 : memref<8x256xf32, #tpu.memory_space<hbm>>) target(%dma_start3A_11 : memref<8x256xf32, #tpu.memory_space<vmem>>) target_semaphore(%arg7 : memref<!tpu.dma_semaphore, #tpu.memory_space<semaphore_mem>>)
    %dma_start3A_14 = arith.constant 0 : i32
    %dma_start3A_15 = arith.constant 256 : i32
    %dma_start3A_16 = tpu.memref_slice %arg4[%dma_start3A_14, %dma_start3A_15] : memref<8x4096xf32, #tpu.memory_space<vmem>> -> memref<8x256xf32, #tpu.memory_space<vmem>>
    %dma_start3A_17 = arith.constant 1024 : i32
    %dma_start3A_18 = tpu.memref_slice %arg2[%add3A_4, %dma_start3A_17] : memref<8192x4096xf32, #tpu.memory_space<hbm>> -> memref<8x256xf32, #tpu.memory_space<hbm>>
    %dma_start3A_19 = arith.constant 0 : i32
    %dma_start3A_20 = arith.constant 256 : i32
    %dma_start3A_21 = tpu.memref_slice %arg4[%dma_start3A_19, %dma_start3A_20] : memref<8x4096xf32, #tpu.memory_space<vmem>> -> memref<8x256xf32, #tpu.memory_space<vmem>>
    %dma_start3A_22 = arith.constant 1024 : i32
    %dma_start3A_23 = tpu.memref_slice %arg2[%add3A_4, %dma_start3A_22] : memref<8192x4096xf32, #tpu.memory_space<hbm>> -> memref<8x256xf32, #tpu.memory_space<hbm>>
    tpu.enqueue_dma source(%dma_start3A_23 : memref<8x256xf32, #tpu.memory_space<hbm>>) target(%dma_start3A_21 : memref<8x256xf32, #tpu.memory_space<vmem>>) target_semaphore(%arg7 : memref<!tpu.dma_semaphore, #tpu.memory_space<semaphore_mem>>)
    %dma_start3A_24 = arith.constant 0 : i32
    %dma_start3A_25 = arith.constant 512 : i32
    %dma_start3A_26 = tpu.memref_slice %arg4[%dma_start3A_24, %dma_start3A_25] : memref<8x4096xf32, #tpu.memory_space<vmem>> -> memref<8x256xf32, #tpu.memory_space<vmem>>
    %dma_start3A_27 = arith.constant 512 : i32
    %dma_start3A_28 = tpu.memref_slice %arg2[%add3A_4, %dma_start3A_27] : memref<8192x4096xf32, #tpu.memory_space<hbm>> -> memref<8x256xf32, #tpu.memory_space<hbm>>
    %dma_start3A_29 = arith.constant 0 : i32
    %dma_start3A_30 = arith.constant 512 : i32
    %dma_start3A_31 = tpu.memref_slice %arg4[%dma_start3A_29, %dma_start3A_30] : memref<8x4096xf32, #tpu.memory_space<vmem>> -> memref<8x256xf32, #tpu.memory_space<vmem>>
    %dma_start3A_32 = arith.constant 512 : i32
    %dma_start3A_33 = tpu.memref_slice %arg2[%add3A_4, %dma_start3A_32] : memref<8192x4096xf32, #tpu.memory_space<hbm>> -> memref<8x256xf32, #tpu.memory_space<hbm>>
    tpu.enqueue_dma source(%dma_start3A_33 : memref<8x256xf32, #tpu.memory_space<hbm>>) target(%dma_start3A_31 : memref<8x256xf32, #tpu.memory_space<vmem>>) target_semaphore(%arg7 : memref<!tpu.dma_semaphore, #tpu.memory_space<semaphore_mem>>)
    %dma_start3A_34 = arith.constant 0 : i32
    %dma_start3A_35 = arith.constant 768 : i32
    %dma_start3A_36 = tpu.memref_slice %arg4[%dma_start3A_34, %dma_start3A_35] : memref<8x4096xf32, #tpu.memory_space<vmem>> -> memref<8x256xf32, #tpu.memory_space<vmem>>
    %dma_start3A_37 = arith.constant 1280 : i32
    %dma_start3A_38 = tpu.memref_slice %arg2[%add3A_4, %dma_start3A_37] : memref<8192x4096xf32, #tpu.memory_space<hbm>> -> memref<8x256xf32, #tpu.memory_space<hbm>>
    %dma_start3A_39 = arith.constant 0 : i32
    %dma_start3A_40 = arith.constant 768 : i32
    %dma_start3A_41 = tpu.memref_slice %arg4[%dma_start3A_39, %dma_start3A_40] : memref<8x4096xf32, #tpu.memory_space<vmem>> -> memref<8x256xf32, #tpu.memory_space<vmem>>
    %dma_start3A_42 = arith.constant 1280 : i32
    %dma_start3A_43 = tpu.memref_slice %arg2[%add3A_4, %dma_start3A_42] : memref<8192x4096xf32, #tpu.memory_space<hbm>> -> memref<8x256xf32, #tpu.memory_space<hbm>>
    tpu.enqueue_dma source(%dma_start3A_43 : memref<8x256xf32, #tpu.memory_space<hbm>>) target(%dma_start3A_41 : memref<8x256xf32, #tpu.memory_space<vmem>>) target_semaphore(%arg7 : memref<!tpu.dma_semaphore, #tpu.memory_space<semaphore_mem>>)
    %dma_start3A_44 = arith.constant 0 : i32
    %dma_start3A_45 = arith.constant 1024 : i32
    %dma_start3A_46 = tpu.memref_slice %arg4[%dma_start3A_44, %dma_start3A_45] : memref<8x4096xf32, #tpu.memory_space<vmem>> -> memref<8x256xf32, #tpu.memory_space<vmem>>
    %dma_start3A_47 = arith.constant 768 : i32
    %dma_start3A_48 = tpu.memref_slice %arg2[%add3A_4, %dma_start3A_47] : memref<8192x4096xf32, #tpu.memory_space<hbm>> -> memref<8x256xf32, #tpu.memory_space<hbm>>
    %dma_start3A_49 = arith.constant 0 : i32
    %dma_start3A_50 = arith.constant 1024 : i32
    %dma_start3A_51 = tpu.memref_slice %arg4[%dma_start3A_49, %dma_start3A_50] : memref<8x4096xf32, #tpu.memory_space<vmem>> -> memref<8x256xf32, #tpu.memory_space<vmem>>
    %dma_start3A_52 = arith.constant 768 : i32
    %dma_start3A_53 = tpu.memref_slice %arg2[%add3A_4, %dma_start3A_52] : memref<8192x4096xf32, #tpu.memory_space<hbm>> -> memref<8x256xf32, #tpu.memory_space<hbm>>
    tpu.enqueue_dma source(%dma_start3A_53 : memref<8x256xf32, #tpu.memory_space<hbm>>) target(%dma_start3A_51 : memref<8x256xf32, #tpu.memory_space<vmem>>) target_semaphore(%arg7 : memref<!tpu.dma_semaphore, #tpu.memory_space<semaphore_mem>>)
    %dma_start3A_54 = arith.constant 0 : i32
    %dma_start3A_55 = arith.constant 1280 : i32
    %dma_start3A_56 = tpu.memref_slice %arg4[%dma_start3A_54, %dma_start3A_55] : memref<8x4096xf32, #tpu.memory_space<vmem>> -> memref<8x256xf32, #tpu.memory_space<vmem>>
    %dma_start3A_57 = arith.constant 1536 : i32
    %dma_start3A_58 = tpu.memref_slice %arg2[%add3A_4, %dma_start3A_57] : memref<8192x4096xf32, #tpu.memory_space<hbm>> -> memref<8x256xf32, #tpu.memory_space<hbm>>
    %dma_start3A_59 = arith.constant 0 : i32
    %dma_start3A_60 = arith.constant 1280 : i32
    %dma_start3A_61 = tpu.memref_slice %arg4[%dma_start3A_59, %dma_start3A_60] : memref<8x4096xf32, #tpu.memory_space<vmem>> -> memref<8x256xf32, #tpu.memory_space<vmem>>
    %dma_start3A_62 = arith.constant 1536 : i32
    %dma_start3A_63 = tpu.memref_slice %arg2[%add3A_4, %dma_start3A_62] : memref<8192x4096xf32, #tpu.memory_space<hbm>> -> memref<8x256xf32, #tpu.memory_space<hbm>>
    tpu.enqueue_dma source(%dma_start3A_63 : memref<8x256xf32, #tpu.memory_space<hbm>>) target(%dma_start3A_61 : memref<8x256xf32, #tpu.memory_space<vmem>>) target_semaphore(%arg7 : memref<!tpu.dma_semaphore, #tpu.memory_space<semaphore_mem>>)
    %dma_start3A_64 = arith.constant 0 : i32
    %dma_start3A_65 = arith.constant 1536 : i32
    %dma_start3A_66 = tpu.memref_slice %arg4[%dma_start3A_64, %dma_start3A_65] : memref<8x4096xf32, #tpu.memory_space<vmem>> -> memref<8x512xf32, #tpu.memory_space<vmem>>
    %dma_start3A_67 = arith.constant 2560 : i32
    %dma_start3A_68 = tpu.memref_slice %arg2[%add3A_4, %dma_start3A_67] : memref<8192x4096xf32, #tpu.memory_space<hbm>> -> memref<8x512xf32, #tpu.memory_space<hbm>>
    %dma_start3A_69 = arith.constant 0 : i32
    %dma_start3A_70 = arith.constant 1536 : i32
    %dma_start3A_71 = tpu.memref_slice %arg4[%dma_start3A_69, %dma_start3A_70] : memref<8x4096xf32, #tpu.memory_space<vmem>> -> memref<8x512xf32, #tpu.memory_space<vmem>>
    %dma_start3A_72 = arith.constant 2560 : i32
    %dma_start3A_73 = tpu.memref_slice %arg2[%add3A_4, %dma_start3A_72] : memref<8192x4096xf32, #tpu.memory_space<hbm>> -> memref<8x512xf32, #tpu.memory_space<hbm>>
    tpu.enqueue_dma source(%dma_start3A_73 : memref<8x512xf32, #tpu.memory_space<hbm>>) target(%dma_start3A_71 : memref<8x512xf32, #tpu.memory_space<vmem>>) target_semaphore(%arg7 : memref<!tpu.dma_semaphore, #tpu.memory_space<semaphore_mem>>)
    %dma_start3A_74 = arith.constant 0 : i32
    %dma_start3A_75 = arith.constant 2048 : i32
    %dma_start3A_76 = tpu.memref_slice %arg4[%dma_start3A_74, %dma_start3A_75] : memref<8x4096xf32, #tpu.memory_space<vmem>> -> memref<8x256xf32, #tpu.memory_space<vmem>>
    %dma_start3A_77 = arith.constant 3840 : i32
    %dma_start3A_78 = tpu.memref_slice %arg2[%add3A_4, %dma_start3A_77] : memref<8192x4096xf32, #tpu.memory_space<hbm>> -> memref<8x256xf32, #tpu.memory_space<hbm>>
    %dma_start3A_79 = arith.constant 0 : i32
    %dma_start3A_80 = arith.constant 2048 : i32
    %dma_start3A_81 = tpu.memref_slice %arg4[%dma_start3A_79, %dma_start3A_80] : memref<8x4096xf32, #tpu.memory_space<vmem>> -> memref<8x256xf32, #tpu.memory_space<vmem>>
    %dma_start3A_82 = arith.constant 3840 : i32
    %dma_start3A_83 = tpu.memref_slice %arg2[%add3A_4, %dma_start3A_82] : memref<8192x4096xf32, #tpu.memory_space<hbm>> -> memref<8x256xf32, #tpu.memory_space<hbm>>
    tpu.enqueue_dma source(%dma_start3A_83 : memref<8x256xf32, #tpu.memory_space<hbm>>) target(%dma_start3A_81 : memref<8x256xf32, #tpu.memory_space<vmem>>) target_semaphore(%arg7 : memref<!tpu.dma_semaphore, #tpu.memory_space<semaphore_mem>>)
    %dma_start3A_84 = arith.constant 0 : i32
    %dma_start3A_85 = arith.constant 2304 : i32
    %dma_start3A_86 = tpu.memref_slice %arg4[%dma_start3A_84, %dma_start3A_85] : memref<8x4096xf32, #tpu.memory_space<vmem>> -> memref<8x512xf32, #tpu.memory_space<vmem>>
    %dma_start3A_87 = arith.constant 2048 : i32
    %dma_start3A_88 = tpu.memref_slice %arg2[%add3A_4, %dma_start3A_87] : memref<8192x4096xf32, #tpu.memory_space<hbm>> -> memref<8x512xf32, #tpu.memory_space<hbm>>
    %dma_start3A_89 = arith.constant 0 : i32
    %dma_start3A_90 = arith.constant 2304 : i32
    %dma_start3A_91 = tpu.memref_slice %arg4[%dma_start3A_89, %dma_start3A_90] : memref<8x4096xf32, #tpu.memory_space<vmem>> -> memref<8x512xf32, #tpu.memory_space<vmem>>
    %dma_start3A_92 = arith.constant 2048 : i32
    %dma_start3A_93 = tpu.memref_slice %arg2[%add3A_4, %dma_start3A_92] : memref<8192x4096xf32, #tpu.memory_space<hbm>> -> memref<8x512xf32, #tpu.memory_space<hbm>>
    tpu.enqueue_dma source(%dma_start3A_93 : memref<8x512xf32, #tpu.memory_space<hbm>>) target(%dma_start3A_91 : memref<8x512xf32, #tpu.memory_space<vmem>>) target_semaphore(%arg7 : memref<!tpu.dma_semaphore, #tpu.memory_space<semaphore_mem>>)
    %dma_start3A_94 = arith.constant 0 : i32
    %dma_start3A_95 = arith.constant 2816 : i32
    %dma_start3A_96 = tpu.memref_slice %arg4[%dma_start3A_94, %dma_start3A_95] : memref<8x4096xf32, #tpu.memory_space<vmem>> -> memref<8x512xf32, #tpu.memory_space<vmem>>
    %dma_start3A_97 = arith.constant 3328 : i32
    %dma_start3A_98 = tpu.memref_slice %arg2[%add3A_4, %dma_start3A_97] : memref<8192x4096xf32, #tpu.memory_space<hbm>> -> memref<8x512xf32, #tpu.memory_space<hbm>>
    %dma_start3A_99 = arith.constant 0 : i32
    %dma_start3A_100 = arith.constant 2816 : i32
    %dma_start3A_101 = tpu.memref_slice %arg4[%dma_start3A_99, %dma_start3A_100] : memref<8x4096xf32, #tpu.memory_space<vmem>> -> memref<8x512xf32, #tpu.memory_space<vmem>>
    %dma_start3A_102 = arith.constant 3328 : i32
    %dma_start3A_103 = tpu.memref_slice %arg2[%add3A_4, %dma_start3A_102] : memref<8192x4096xf32, #tpu.memory_space<hbm>> -> memref<8x512xf32, #tpu.memory_space<hbm>>
    tpu.enqueue_dma source(%dma_start3A_103 : memref<8x512xf32, #tpu.memory_space<hbm>>) target(%dma_start3A_101 : memref<8x512xf32, #tpu.memory_space<vmem>>) target_semaphore(%arg7 : memref<!tpu.dma_semaphore, #tpu.memory_space<semaphore_mem>>)
    %dma_start3A_104 = arith.constant 0 : i32
    %dma_start3A_105 = arith.constant 3328 : i32
    %dma_start3A_106 = tpu.memref_slice %arg4[%dma_start3A_104, %dma_start3A_105] : memref<8x4096xf32, #tpu.memory_space<vmem>> -> memref<8x512xf32, #tpu.memory_space<vmem>>
    %dma_start3A_107 = arith.constant 0 : i32
    %dma_start3A_108 = tpu.memref_slice %arg2[%add3A_4, %dma_start3A_107] : memref<8192x4096xf32, #tpu.memory_space<hbm>> -> memref<8x512xf32, #tpu.memory_space<hbm>>
    %dma_start3A_109 = arith.constant 0 : i32
    %dma_start3A_110 = arith.constant 3328 : i32
    %dma_start3A_111 = tpu.memref_slice %arg4[%dma_start3A_109, %dma_start3A_110] : memref<8x4096xf32, #tpu.memory_space<vmem>> -> memref<8x512xf32, #tpu.memory_space<vmem>>
    %dma_start3A_112 = arith.constant 0 : i32
    %dma_start3A_113 = tpu.memref_slice %arg2[%add3A_4, %dma_start3A_112] : memref<8192x4096xf32, #tpu.memory_space<hbm>> -> memref<8x512xf32, #tpu.memory_space<hbm>>
    tpu.enqueue_dma source(%dma_start3A_113 : memref<8x512xf32, #tpu.memory_space<hbm>>) target(%dma_start3A_111 : memref<8x512xf32, #tpu.memory_space<vmem>>) target_semaphore(%arg7 : memref<!tpu.dma_semaphore, #tpu.memory_space<semaphore_mem>>)
    %dma_start3A_114 = arith.constant 0 : i32
    %dma_start3A_115 = arith.constant 3840 : i32
    %dma_start3A_116 = tpu.memref_slice %arg4[%dma_start3A_114, %dma_start3A_115] : memref<8x4096xf32, #tpu.memory_space<vmem>> -> memref<8x256xf32, #tpu.memory_space<vmem>>
    %dma_start3A_117 = arith.constant 3072 : i32
    %dma_start3A_118 = tpu.memref_slice %arg2[%add3A_4, %dma_start3A_117] : memref<8192x4096xf32, #tpu.memory_space<hbm>> -> memref<8x256xf32, #tpu.memory_space<hbm>>
    %dma_start3A_119 = arith.constant 0 : i32
    %dma_start3A_120 = arith.constant 3840 : i32
    %dma_start3A_121 = tpu.memref_slice %arg4[%dma_start3A_119, %dma_start3A_120] : memref<8x4096xf32, #tpu.memory_space<vmem>> -> memref<8x256xf32, #tpu.memory_space<vmem>>
    %dma_start3A_122 = arith.constant 3072 : i32
    %dma_start3A_123 = tpu.memref_slice %arg2[%add3A_4, %dma_start3A_122] : memref<8192x4096xf32, #tpu.memory_space<hbm>> -> memref<8x256xf32, #tpu.memory_space<hbm>>
    tpu.enqueue_dma source(%dma_start3A_123 : memref<8x256xf32, #tpu.memory_space<hbm>>) target(%dma_start3A_121 : memref<8x256xf32, #tpu.memory_space<vmem>>) target_semaphore(%arg7 : memref<!tpu.dma_semaphore, #tpu.memory_space<semaphore_mem>>)
    %add3A_124 = arith.constant 8 : i32
    %add3A_125 = arith.addi %mul3A_2, %add3A_124 : i32
    %dma_start3A_126 = arith.constant 0 : i32
    %dma_start3A_127 = arith.constant 0 : i32
    %dma_start3A_128 = tpu.memref_slice %arg5[%dma_start3A_126, %dma_start3A_127] : memref<8x4096xf32, #tpu.memory_space<vmem>> -> memref<8x256xf32, #tpu.memory_space<vmem>>
    %dma_start3A_129 = arith.constant 1792 : i32
    %dma_start3A_130 = tpu.memref_slice %arg2[%add3A_125, %dma_start3A_129] : memref<8192x4096xf32, #tpu.memory_space<hbm>> -> memref<8x256xf32, #tpu.memory_space<hbm>>
    %dma_start3A_131 = arith.constant 0 : i32
    %dma_start3A_132 = arith.constant 0 : i32
    %dma_start3A_133 = tpu.memref_slice %arg5[%dma_start3A_131, %dma_start3A_132] : memref<8x4096xf32, #tpu.memory_space<vmem>> -> memref<8x256xf32, #tpu.memory_space<vmem>>
    %dma_start3A_134 = arith.constant 1792 : i32
    %dma_start3A_135 = tpu.memref_slice %arg2[%add3A_125, %dma_start3A_134] : memref<8192x4096xf32, #tpu.memory_space<hbm>> -> memref<8x256xf32, #tpu.memory_space<hbm>>
    tpu.enqueue_dma source(%dma_start3A_135 : memref<8x256xf32, #tpu.memory_space<hbm>>) target(%dma_start3A_133 : memref<8x256xf32, #tpu.memory_space<vmem>>) target_semaphore(%arg8 : memref<!tpu.dma_semaphore, #tpu.memory_space<semaphore_mem>>)
    %dma_start3A_136 = arith.constant 0 : i32
    %dma_start3A_137 = arith.constant 256 : i32
    %dma_start3A_138 = tpu.memref_slice %arg5[%dma_start3A_136, %dma_start3A_137] : memref<8x4096xf32, #tpu.memory_space<vmem>> -> memref<8x256xf32, #tpu.memory_space<vmem>>
    %dma_start3A_139 = arith.constant 1024 : i32
    %dma_start3A_140 = tpu.memref_slice %arg2[%add3A_125, %dma_start3A_139] : memref<8192x4096xf32, #tpu.memory_space<hbm>> -> memref<8x256xf32, #tpu.memory_space<hbm>>
    %dma_start3A_141 = arith.constant 0 : i32
    %dma_start3A_142 = arith.constant 256 : i32
    %dma_start3A_143 = tpu.memref_slice %arg5[%dma_start3A_141, %dma_start3A_142] : memref<8x4096xf32, #tpu.memory_space<vmem>> -> memref<8x256xf32, #tpu.memory_space<vmem>>
    %dma_start3A_144 = arith.constant 1024 : i32
    %dma_start3A_145 = tpu.memref_slice %arg2[%add3A_125, %dma_start3A_144] : memref<8192x4096xf32, #tpu.memory_space<hbm>> -> memref<8x256xf32, #tpu.memory_space<hbm>>
    tpu.enqueue_dma source(%dma_start3A_145 : memref<8x256xf32, #tpu.memory_space<hbm>>) target(%dma_start3A_143 : memref<8x256xf32, #tpu.memory_space<vmem>>) target_semaphore(%arg8 : memref<!tpu.dma_semaphore, #tpu.memory_space<semaphore_mem>>)
    %dma_start3A_146 = arith.constant 0 : i32
    %dma_start3A_147 = arith.constant 512 : i32
    %dma_start3A_148 = tpu.memref_slice %arg5[%dma_start3A_146, %dma_start3A_147] : memref<8x4096xf32, #tpu.memory_space<vmem>> -> memref<8x256xf32, #tpu.memory_space<vmem>>
    %dma_start3A_149 = arith.constant 512 : i32
    %dma_start3A_150 = tpu.memref_slice %arg2[%add3A_125, %dma_start3A_149] : memref<8192x4096xf32, #tpu.memory_space<hbm>> -> memref<8x256xf32, #tpu.memory_space<hbm>>
    %dma_start3A_151 = arith.constant 0 : i32
    %dma_start3A_152 = arith.constant 512 : i32
    %dma_start3A_153 = tpu.memref_slice %arg5[%dma_start3A_151, %dma_start3A_152] : memref<8x4096xf32, #tpu.memory_space<vmem>> -> memref<8x256xf32, #tpu.memory_space<vmem>>
    %dma_start3A_154 = arith.constant 512 : i32
    %dma_start3A_155 = tpu.memref_slice %arg2[%add3A_125, %dma_start3A_154] : memref<8192x4096xf32, #tpu.memory_space<hbm>> -> memref<8x256xf32, #tpu.memory_space<hbm>>
    tpu.enqueue_dma source(%dma_start3A_155 : memref<8x256xf32, #tpu.memory_space<hbm>>) target(%dma_start3A_153 : memref<8x256xf32, #tpu.memory_space<vmem>>) target_semaphore(%arg8 : memref<!tpu.dma_semaphore, #tpu.memory_space<semaphore_mem>>)
    %dma_start3A_156 = arith.constant 0 : i32
    %dma_start3A_157 = arith.constant 768 : i32
    %dma_start3A_158 = tpu.memref_slice %arg5[%dma_start3A_156, %dma_start3A_157] : memref<8x4096xf32, #tpu.memory_space<vmem>> -> memref<8x256xf32, #tpu.memory_space<vmem>>
    %dma_start3A_159 = arith.constant 1280 : i32
    %dma_start3A_160 = tpu.memref_slice %arg2[%add3A_125, %dma_start3A_159] : memref<8192x4096xf32, #tpu.memory_space<hbm>> -> memref<8x256xf32, #tpu.memory_space<hbm>>
    %dma_start3A_161 = arith.constant 0 : i32
    %dma_start3A_162 = arith.constant 768 : i32
    %dma_start3A_163 = tpu.memref_slice %arg5[%dma_start3A_161, %dma_start3A_162] : memref<8x4096xf32, #tpu.memory_space<vmem>> -> memref<8x256xf32, #tpu.memory_space<vmem>>
    %dma_start3A_164 = arith.constant 1280 : i32
    %dma_start3A_165 = tpu.memref_slice %arg2[%add3A_125, %dma_start3A_164] : memref<8192x4096xf32, #tpu.memory_space<hbm>> -> memref<8x256xf32, #tpu.memory_space<hbm>>
    tpu.enqueue_dma source(%dma_start3A_165 : memref<8x256xf32, #tpu.memory_space<hbm>>) target(%dma_start3A_163 : memref<8x256xf32, #tpu.memory_space<vmem>>) target_semaphore(%arg8 : memref<!tpu.dma_semaphore, #tpu.memory_space<semaphore_mem>>)
    %dma_start3A_166 = arith.constant 0 : i32
    %dma_start3A_167 = arith.constant 1024 : i32
    %dma_start3A_168 = tpu.memref_slice %arg5[%dma_start3A_166, %dma_start3A_167] : memref<8x4096xf32, #tpu.memory_space<vmem>> -> memref<8x256xf32, #tpu.memory_space<vmem>>
    %dma_start3A_169 = arith.constant 768 : i32
    %dma_start3A_170 = tpu.memref_slice %arg2[%add3A_125, %dma_start3A_169] : memref<8192x4096xf32, #tpu.memory_space<hbm>> -> memref<8x256xf32, #tpu.memory_space<hbm>>
    %dma_start3A_171 = arith.constant 0 : i32
    %dma_start3A_172 = arith.constant 1024 : i32
    %dma_start3A_173 = tpu.memref_slice %arg5[%dma_start3A_171, %dma_start3A_172] : memref<8x4096xf32, #tpu.memory_space<vmem>> -> memref<8x256xf32, #tpu.memory_space<vmem>>
    %dma_start3A_174 = arith.constant 768 : i32
    %dma_start3A_175 = tpu.memref_slice %arg2[%add3A_125, %dma_start3A_174] : memref<8192x4096xf32, #tpu.memory_space<hbm>> -> memref<8x256xf32, #tpu.memory_space<hbm>>
    tpu.enqueue_dma source(%dma_start3A_175 : memref<8x256xf32, #tpu.memory_space<hbm>>) target(%dma_start3A_173 : memref<8x256xf32, #tpu.memory_space<vmem>>) target_semaphore(%arg8 : memref<!tpu.dma_semaphore, #tpu.memory_space<semaphore_mem>>)
    %dma_start3A_176 = arith.constant 0 : i32
    %dma_start3A_177 = arith.constant 1280 : i32
    %dma_start3A_178 = tpu.memref_slice %arg5[%dma_start3A_176, %dma_start3A_177] : memref<8x4096xf32, #tpu.memory_space<vmem>> -> memref<8x256xf32, #tpu.memory_space<vmem>>
    %dma_start3A_179 = arith.constant 1536 : i32
    %dma_start3A_180 = tpu.memref_slice %arg2[%add3A_125, %dma_start3A_179] : memref<8192x4096xf32, #tpu.memory_space<hbm>> -> memref<8x256xf32, #tpu.memory_space<hbm>>
    %dma_start3A_181 = arith.constant 0 : i32
    %dma_start3A_182 = arith.constant 1280 : i32
    %dma_start3A_183 = tpu.memref_slice %arg5[%dma_start3A_181, %dma_start3A_182] : memref<8x4096xf32, #tpu.memory_space<vmem>> -> memref<8x256xf32, #tpu.memory_space<vmem>>
    %dma_start3A_184 = arith.constant 1536 : i32
    %dma_start3A_185 = tpu.memref_slice %arg2[%add3A_125, %dma_start3A_184] : memref<8192x4096xf32, #tpu.memory_space<hbm>> -> memref<8x256xf32, #tpu.memory_space<hbm>>
    tpu.enqueue_dma source(%dma_start3A_185 : memref<8x256xf32, #tpu.memory_space<hbm>>) target(%dma_start3A_183 : memref<8x256xf32, #tpu.memory_space<vmem>>) target_semaphore(%arg8 : memref<!tpu.dma_semaphore, #tpu.memory_space<semaphore_mem>>)
    %dma_start3A_186 = arith.constant 0 : i32
    %dma_start3A_187 = arith.constant 1536 : i32
    %dma_start3A_188 = tpu.memref_slice %arg5[%dma_start3A_186, %dma_start3A_187] : memref<8x4096xf32, #tpu.memory_space<vmem>> -> memref<8x512xf32, #tpu.memory_space<vmem>>
    %dma_start3A_189 = arith.constant 2560 : i32
    %dma_start3A_190 = tpu.memref_slice %arg2[%add3A_125, %dma_start3A_189] : memref<8192x4096xf32, #tpu.memory_space<hbm>> -> memref<8x512xf32, #tpu.memory_space<hbm>>
    %dma_start3A_191 = arith.constant 0 : i32
    %dma_start3A_192 = arith.constant 1536 : i32
    %dma_start3A_193 = tpu.memref_slice %arg5[%dma_start3A_191, %dma_start3A_192] : memref<8x4096xf32, #tpu.memory_space<vmem>> -> memref<8x512xf32, #tpu.memory_space<vmem>>
    %dma_start3A_194 = arith.constant 2560 : i32
    %dma_start3A_195 = tpu.memref_slice %arg2[%add3A_125, %dma_start3A_194] : memref<8192x4096xf32, #tpu.memory_space<hbm>> -> memref<8x512xf32, #tpu.memory_space<hbm>>
    tpu.enqueue_dma source(%dma_start3A_195 : memref<8x512xf32, #tpu.memory_space<hbm>>) target(%dma_start3A_193 : memref<8x512xf32, #tpu.memory_space<vmem>>) target_semaphore(%arg8 : memref<!tpu.dma_semaphore, #tpu.memory_space<semaphore_mem>>)
    %dma_start3A_196 = arith.constant 0 : i32
    %dma_start3A_197 = arith.constant 2048 : i32
    %dma_start3A_198 = tpu.memref_slice %arg5[%dma_start3A_196, %dma_start3A_197] : memref<8x4096xf32, #tpu.memory_space<vmem>> -> memref<8x256xf32, #tpu.memory_space<vmem>>
    %dma_start3A_199 = arith.constant 3840 : i32
    %dma_start3A_200 = tpu.memref_slice %arg2[%add3A_125, %dma_start3A_199] : memref<8192x4096xf32, #tpu.memory_space<hbm>> -> memref<8x256xf32, #tpu.memory_space<hbm>>
    %dma_start3A_201 = arith.constant 0 : i32
    %dma_start3A_202 = arith.constant 2048 : i32
    %dma_start3A_203 = tpu.memref_slice %arg5[%dma_start3A_201, %dma_start3A_202] : memref<8x4096xf32, #tpu.memory_space<vmem>> -> memref<8x256xf32, #tpu.memory_space<vmem>>
    %dma_start3A_204 = arith.constant 3840 : i32
    %dma_start3A_205 = tpu.memref_slice %arg2[%add3A_125, %dma_start3A_204] : memref<8192x4096xf32, #tpu.memory_space<hbm>> -> memref<8x256xf32, #tpu.memory_space<hbm>>
    tpu.enqueue_dma source(%dma_start3A_205 : memref<8x256xf32, #tpu.memory_space<hbm>>) target(%dma_start3A_203 : memref<8x256xf32, #tpu.memory_space<vmem>>) target_semaphore(%arg8 : memref<!tpu.dma_semaphore, #tpu.memory_space<semaphore_mem>>)
    %dma_start3A_206 = arith.constant 0 : i32
    %dma_start3A_207 = arith.constant 2304 : i32
    %dma_start3A_208 = tpu.memref_slice %arg5[%dma_start3A_206, %dma_start3A_207] : memref<8x4096xf32, #tpu.memory_space<vmem>> -> memref<8x512xf32, #tpu.memory_space<vmem>>
    %dma_start3A_209 = arith.constant 2048 : i32
    %dma_start3A_210 = tpu.memref_slice %arg2[%add3A_125, %dma_start3A_209] : memref<8192x4096xf32, #tpu.memory_space<hbm>> -> memref<8x512xf32, #tpu.memory_space<hbm>>
    %dma_start3A_211 = arith.constant 0 : i32
    %dma_start3A_212 = arith.constant 2304 : i32
    %dma_start3A_213 = tpu.memref_slice %arg5[%dma_start3A_211, %dma_start3A_212] : memref<8x4096xf32, #tpu.memory_space<vmem>> -> memref<8x512xf32, #tpu.memory_space<vmem>>
    %dma_start3A_214 = arith.constant 2048 : i32
    %dma_start3A_215 = tpu.memref_slice %arg2[%add3A_125, %dma_start3A_214] : memref<8192x4096xf32, #tpu.memory_space<hbm>> -> memref<8x512xf32, #tpu.memory_space<hbm>>
    tpu.enqueue_dma source(%dma_start3A_215 : memref<8x512xf32, #tpu.memory_space<hbm>>) target(%dma_start3A_213 : memref<8x512xf32, #tpu.memory_space<vmem>>) target_semaphore(%arg8 : memref<!tpu.dma_semaphore, #tpu.memory_space<semaphore_mem>>)
    %dma_start3A_216 = arith.constant 0 : i32
    %dma_start3A_217 = arith.constant 2816 : i32
    %dma_start3A_218 = tpu.memref_slice %arg5[%dma_start3A_216, %dma_start3A_217] : memref<8x4096xf32, #tpu.memory_space<vmem>> -> memref<8x512xf32, #tpu.memory_space<vmem>>
    %dma_start3A_219 = arith.constant 3328 : i32
    %dma_start3A_220 = tpu.memref_slice %arg2[%add3A_125, %dma_start3A_219] : memref<8192x4096xf32, #tpu.memory_space<hbm>> -> memref<8x512xf32, #tpu.memory_space<hbm>>
    %dma_start3A_221 = arith.constant 0 : i32
    %dma_start3A_222 = arith.constant 2816 : i32
    %dma_start3A_223 = tpu.memref_slice %arg5[%dma_start3A_221, %dma_start3A_222] : memref<8x4096xf32, #tpu.memory_space<vmem>> -> memref<8x512xf32, #tpu.memory_space<vmem>>
    %dma_start3A_224 = arith.constant 3328 : i32
    %dma_start3A_225 = tpu.memref_slice %arg2[%add3A_125, %dma_start3A_224] : memref<8192x4096xf32, #tpu.memory_space<hbm>> -> memref<8x512xf32, #tpu.memory_space<hbm>>
    tpu.enqueue_dma source(%dma_start3A_225 : memref<8x512xf32, #tpu.memory_space<hbm>>) target(%dma_start3A_223 : memref<8x512xf32, #tpu.memory_space<vmem>>) target_semaphore(%arg8 : memref<!tpu.dma_semaphore, #tpu.memory_space<semaphore_mem>>)
    %dma_start3A_226 = arith.constant 0 : i32
    %dma_start3A_227 = arith.constant 3328 : i32
    %dma_start3A_228 = tpu.memref_slice %arg5[%dma_start3A_226, %dma_start3A_227] : memref<8x4096xf32, #tpu.memory_space<vmem>> -> memref<8x512xf32, #tpu.memory_space<vmem>>
    %dma_start3A_229 = arith.constant 0 : i32
    %dma_start3A_230 = tpu.memref_slice %arg2[%add3A_125, %dma_start3A_229] : memref<8192x4096xf32, #tpu.memory_space<hbm>> -> memref<8x512xf32, #tpu.memory_space<hbm>>
    %dma_start3A_231 = arith.constant 0 : i32
    %dma_start3A_232 = arith.constant 3328 : i32
    %dma_start3A_233 = tpu.memref_slice %arg5[%dma_start3A_231, %dma_start3A_232] : memref<8x4096xf32, #tpu.memory_space<vmem>> -> memref<8x512xf32, #tpu.memory_space<vmem>>
    %dma_start3A_234 = arith.constant 0 : i32
    %dma_start3A_235 = tpu.memref_slice %arg2[%add3A_125, %dma_start3A_234] : memref<8192x4096xf32, #tpu.memory_space<hbm>> -> memref<8x512xf32, #tpu.memory_space<hbm>>
    tpu.enqueue_dma source(%dma_start3A_235 : memref<8x512xf32, #tpu.memory_space<hbm>>) target(%dma_start3A_233 : memref<8x512xf32, #tpu.memory_space<vmem>>) target_semaphore(%arg8 : memref<!tpu.dma_semaphore, #tpu.memory_space<semaphore_mem>>)
    %dma_start3A_236 = arith.constant 0 : i32
    %dma_start3A_237 = arith.constant 3840 : i32
    %dma_start3A_238 = tpu.memref_slice %arg5[%dma_start3A_236, %dma_start3A_237] : memref<8x4096xf32, #tpu.memory_space<vmem>> -> memref<8x256xf32, #tpu.memory_space<vmem>>
    %dma_start3A_239 = arith.constant 3072 : i32
    %dma_start3A_240 = tpu.memref_slice %arg2[%add3A_125, %dma_start3A_239] : memref<8192x4096xf32, #tpu.memory_space<hbm>> -> memref<8x256xf32, #tpu.memory_space<hbm>>
    %dma_start3A_241 = arith.constant 0 : i32
    %dma_start3A_242 = arith.constant 3840 : i32
    %dma_start3A_243 = tpu.memref_slice %arg5[%dma_start3A_241, %dma_start3A_242] : memref<8x4096xf32, #tpu.memory_space<vmem>> -> memref<8x256xf32, #tpu.memory_space<vmem>>
    %dma_start3A_244 = arith.constant 3072 : i32
    %dma_start3A_245 = tpu.memref_slice %arg2[%add3A_125, %dma_start3A_244] : memref<8192x4096xf32, #tpu.memory_space<hbm>> -> memref<8x256xf32, #tpu.memory_space<hbm>>
    tpu.enqueue_dma source(%dma_start3A_245 : memref<8x256xf32, #tpu.memory_space<hbm>>) target(%dma_start3A_243 : memref<8x256xf32, #tpu.memory_space<vmem>>) target_semaphore(%arg8 : memref<!tpu.dma_semaphore, #tpu.memory_space<semaphore_mem>>)
    %add3A_246 = arith.constant 16 : i32
    %add3A_247 = arith.addi %mul3A_2, %add3A_246 : i32
    %dma_start3A_248 = arith.constant 0 : i32
    %dma_start3A_249 = arith.constant 0 : i32
    %dma_start3A_250 = tpu.memref_slice %arg6[%dma_start3A_248, %dma_start3A_249] : memref<8x4096xf32, #tpu.memory_space<vmem>> -> memref<8x256xf32, #tpu.memory_space<vmem>>
    %dma_start3A_251 = arith.constant 1792 : i32
    %dma_start3A_252 = tpu.memref_slice %arg2[%add3A_247, %dma_start3A_251] : memref<8192x4096xf32, #tpu.memory_space<hbm>> -> memref<8x256xf32, #tpu.memory_space<hbm>>
    %dma_start3A_253 = arith.constant 0 : i32
    %dma_start3A_254 = arith.constant 0 : i32
    %dma_start3A_255 = tpu.memref_slice %arg6[%dma_start3A_253, %dma_start3A_254] : memref<8x4096xf32, #tpu.memory_space<vmem>> -> memref<8x256xf32, #tpu.memory_space<vmem>>
    %dma_start3A_256 = arith.constant 1792 : i32
    %dma_start3A_257 = tpu.memref_slice %arg2[%add3A_247, %dma_start3A_256] : memref<8192x4096xf32, #tpu.memory_space<hbm>> -> memref<8x256xf32, #tpu.memory_space<hbm>>
    tpu.enqueue_dma source(%dma_start3A_257 : memref<8x256xf32, #tpu.memory_space<hbm>>) target(%dma_start3A_255 : memref<8x256xf32, #tpu.memory_space<vmem>>) target_semaphore(%arg9 : memref<!tpu.dma_semaphore, #tpu.memory_space<semaphore_mem>>)
    %dma_start3A_258 = arith.constant 0 : i32
    %dma_start3A_259 = arith.constant 256 : i32
    %dma_start3A_260 = tpu.memref_slice %arg6[%dma_start3A_258, %dma_start3A_259] : memref<8x4096xf32, #tpu.memory_space<vmem>> -> memref<8x256xf32, #tpu.memory_space<vmem>>
    %dma_start3A_261 = arith.constant 1024 : i32
    %dma_start3A_262 = tpu.memref_slice %arg2[%add3A_247, %dma_start3A_261] : memref<8192x4096xf32, #tpu.memory_space<hbm>> -> memref<8x256xf32, #tpu.memory_space<hbm>>
    %dma_start3A_263 = arith.constant 0 : i32
    %dma_start3A_264 = arith.constant 256 : i32
    %dma_start3A_265 = tpu.memref_slice %arg6[%dma_start3A_263, %dma_start3A_264] : memref<8x4096xf32, #tpu.memory_space<vmem>> -> memref<8x256xf32, #tpu.memory_space<vmem>>
    %dma_start3A_266 = arith.constant 1024 : i32
    %dma_start3A_267 = tpu.memref_slice %arg2[%add3A_247, %dma_start3A_266] : memref<8192x4096xf32, #tpu.memory_space<hbm>> -> memref<8x256xf32, #tpu.memory_space<hbm>>
    tpu.enqueue_dma source(%dma_start3A_267 : memref<8x256xf32, #tpu.memory_space<hbm>>) target(%dma_start3A_265 : memref<8x256xf32, #tpu.memory_space<vmem>>) target_semaphore(%arg9 : memref<!tpu.dma_semaphore, #tpu.memory_space<semaphore_mem>>)
    %dma_start3A_268 = arith.constant 0 : i32
    %dma_start3A_269 = arith.constant 512 : i32
    %dma_start3A_270 = tpu.memref_slice %arg6[%dma_start3A_268, %dma_start3A_269] : memref<8x4096xf32, #tpu.memory_space<vmem>> -> memref<8x256xf32, #tpu.memory_space<vmem>>
    %dma_start3A_271 = arith.constant 512 : i32
    %dma_start3A_272 = tpu.memref_slice %arg2[%add3A_247, %dma_start3A_271] : memref<8192x4096xf32, #tpu.memory_space<hbm>> -> memref<8x256xf32, #tpu.memory_space<hbm>>
    %dma_start3A_273 = arith.constant 0 : i32
    %dma_start3A_274 = arith.constant 512 : i32
    %dma_start3A_275 = tpu.memref_slice %arg6[%dma_start3A_273, %dma_start3A_274] : memref<8x4096xf32, #tpu.memory_space<vmem>> -> memref<8x256xf32, #tpu.memory_space<vmem>>
    %dma_start3A_276 = arith.constant 512 : i32
    %dma_start3A_277 = tpu.memref_slice %arg2[%add3A_247, %dma_start3A_276] : memref<8192x4096xf32, #tpu.memory_space<hbm>> -> memref<8x256xf32, #tpu.memory_space<hbm>>
    tpu.enqueue_dma source(%dma_start3A_277 : memref<8x256xf32, #tpu.memory_space<hbm>>) target(%dma_start3A_275 : memref<8x256xf32, #tpu.memory_space<vmem>>) target_semaphore(%arg9 : memref<!tpu.dma_semaphore, #tpu.memory_space<semaphore_mem>>)
    %dma_start3A_278 = arith.constant 0 : i32
    %dma_start3A_279 = arith.constant 768 : i32
    %dma_start3A_280 = tpu.memref_slice %arg6[%dma_start3A_278, %dma_start3A_279] : memref<8x4096xf32, #tpu.memory_space<vmem>> -> memref<8x256xf32, #tpu.memory_space<vmem>>
    %dma_start3A_281 = arith.constant 1280 : i32
    %dma_start3A_282 = tpu.memref_slice %arg2[%add3A_247, %dma_start3A_281] : memref<8192x4096xf32, #tpu.memory_space<hbm>> -> memref<8x256xf32, #tpu.memory_space<hbm>>
    %dma_start3A_283 = arith.constant 0 : i32
    %dma_start3A_284 = arith.constant 768 : i32
    %dma_start3A_285 = tpu.memref_slice %arg6[%dma_start3A_283, %dma_start3A_284] : memref<8x4096xf32, #tpu.memory_space<vmem>> -> memref<8x256xf32, #tpu.memory_space<vmem>>
    %dma_start3A_286 = arith.constant 1280 : i32
    %dma_start3A_287 = tpu.memref_slice %arg2[%add3A_247, %dma_start3A_286] : memref<8192x4096xf32, #tpu.memory_space<hbm>> -> memref<8x256xf32, #tpu.memory_space<hbm>>
    tpu.enqueue_dma source(%dma_start3A_287 : memref<8x256xf32, #tpu.memory_space<hbm>>) target(%dma_start3A_285 : memref<8x256xf32, #tpu.memory_space<vmem>>) target_semaphore(%arg9 : memref<!tpu.dma_semaphore, #tpu.memory_space<semaphore_mem>>)
    %dma_start3A_288 = arith.constant 0 : i32
    %dma_start3A_289 = arith.constant 1024 : i32
    %dma_start3A_290 = tpu.memref_slice %arg6[%dma_start3A_288, %dma_start3A_289] : memref<8x4096xf32, #tpu.memory_space<vmem>> -> memref<8x256xf32, #tpu.memory_space<vmem>>
    %dma_start3A_291 = arith.constant 768 : i32
    %dma_start3A_292 = tpu.memref_slice %arg2[%add3A_247, %dma_start3A_291] : memref<8192x4096xf32, #tpu.memory_space<hbm>> -> memref<8x256xf32, #tpu.memory_space<hbm>>
    %dma_start3A_293 = arith.constant 0 : i32
    %dma_start3A_294 = arith.constant 1024 : i32
    %dma_start3A_295 = tpu.memref_slice %arg6[%dma_start3A_293, %dma_start3A_294] : memref<8x4096xf32, #tpu.memory_space<vmem>> -> memref<8x256xf32, #tpu.memory_space<vmem>>
    %dma_start3A_296 = arith.constant 768 : i32
    %dma_start3A_297 = tpu.memref_slice %arg2[%add3A_247, %dma_start3A_296] : memref<8192x4096xf32, #tpu.memory_space<hbm>> -> memref<8x256xf32, #tpu.memory_space<hbm>>
    tpu.enqueue_dma source(%dma_start3A_297 : memref<8x256xf32, #tpu.memory_space<hbm>>) target(%dma_start3A_295 : memref<8x256xf32, #tpu.memory_space<vmem>>) target_semaphore(%arg9 : memref<!tpu.dma_semaphore, #tpu.memory_space<semaphore_mem>>)
    %dma_start3A_298 = arith.constant 0 : i32
    %dma_start3A_299 = arith.constant 1280 : i32
    %dma_start3A_300 = tpu.memref_slice %arg6[%dma_start3A_298, %dma_start3A_299] : memref<8x4096xf32, #tpu.memory_space<vmem>> -> memref<8x256xf32, #tpu.memory_space<vmem>>
    %dma_start3A_301 = arith.constant 1536 : i32
    %dma_start3A_302 = tpu.memref_slice %arg2[%add3A_247, %dma_start3A_301] : memref<8192x4096xf32, #tpu.memory_space<hbm>> -> memref<8x256xf32, #tpu.memory_space<hbm>>
    %dma_start3A_303 = arith.constant 0 : i32
    %dma_start3A_304 = arith.constant 1280 : i32
    %dma_start3A_305 = tpu.memref_slice %arg6[%dma_start3A_303, %dma_start3A_304] : memref<8x4096xf32, #tpu.memory_space<vmem>> -> memref<8x256xf32, #tpu.memory_space<vmem>>
    %dma_start3A_306 = arith.constant 1536 : i32
    %dma_start3A_307 = tpu.memref_slice %arg2[%add3A_247, %dma_start3A_306] : memref<8192x4096xf32, #tpu.memory_space<hbm>> -> memref<8x256xf32, #tpu.memory_space<hbm>>
    tpu.enqueue_dma source(%dma_start3A_307 : memref<8x256xf32, #tpu.memory_space<hbm>>) target(%dma_start3A_305 : memref<8x256xf32, #tpu.memory_space<vmem>>) target_semaphore(%arg9 : memref<!tpu.dma_semaphore, #tpu.memory_space<semaphore_mem>>)
    %dma_start3A_308 = arith.constant 0 : i32
    %dma_start3A_309 = arith.constant 1536 : i32
    %dma_start3A_310 = tpu.memref_slice %arg6[%dma_start3A_308, %dma_start3A_309] : memref<8x4096xf32, #tpu.memory_space<vmem>> -> memref<8x512xf32, #tpu.memory_space<vmem>>
    %dma_start3A_311 = arith.constant 2560 : i32
    %dma_start3A_312 = tpu.memref_slice %arg2[%add3A_247, %dma_start3A_311] : memref<8192x4096xf32, #tpu.memory_space<hbm>> -> memref<8x512xf32, #tpu.memory_space<hbm>>
    %dma_start3A_313 = arith.constant 0 : i32
    %dma_start3A_314 = arith.constant 1536 : i32
    %dma_start3A_315 = tpu.memref_slice %arg6[%dma_start3A_313, %dma_start3A_314] : memref<8x4096xf32, #tpu.memory_space<vmem>> -> memref<8x512xf32, #tpu.memory_space<vmem>>
    %dma_start3A_316 = arith.constant 2560 : i32
    %dma_start3A_317 = tpu.memref_slice %arg2[%add3A_247, %dma_start3A_316] : memref<8192x4096xf32, #tpu.memory_space<hbm>> -> memref<8x512xf32, #tpu.memory_space<hbm>>
    tpu.enqueue_dma source(%dma_start3A_317 : memref<8x512xf32, #tpu.memory_space<hbm>>) target(%dma_start3A_315 : memref<8x512xf32, #tpu.memory_space<vmem>>) target_semaphore(%arg9 : memref<!tpu.dma_semaphore, #tpu.memory_space<semaphore_mem>>)
    %dma_start3A_318 = arith.constant 0 : i32
    %dma_start3A_319 = arith.constant 2048 : i32
    %dma_start3A_320 = tpu.memref_slice %arg6[%dma_start3A_318, %dma_start3A_319] : memref<8x4096xf32, #tpu.memory_space<vmem>> -> memref<8x256xf32, #tpu.memory_space<vmem>>
    %dma_start3A_321 = arith.constant 3840 : i32
    %dma_start3A_322 = tpu.memref_slice %arg2[%add3A_247, %dma_start3A_321] : memref<8192x4096xf32, #tpu.memory_space<hbm>> -> memref<8x256xf32, #tpu.memory_space<hbm>>
    %dma_start3A_323 = arith.constant 0 : i32
    %dma_start3A_324 = arith.constant 2048 : i32
    %dma_start3A_325 = tpu.memref_slice %arg6[%dma_start3A_323, %dma_start3A_324] : memref<8x4096xf32, #tpu.memory_space<vmem>> -> memref<8x256xf32, #tpu.memory_space<vmem>>
    %dma_start3A_326 = arith.constant 3840 : i32
    %dma_start3A_327 = tpu.memref_slice %arg2[%add3A_247, %dma_start3A_326] : memref<8192x4096xf32, #tpu.memory_space<hbm>> -> memref<8x256xf32, #tpu.memory_space<hbm>>
    tpu.enqueue_dma source(%dma_start3A_327 : memref<8x256xf32, #tpu.memory_space<hbm>>) target(%dma_start3A_325 : memref<8x256xf32, #tpu.memory_space<vmem>>) target_semaphore(%arg9 : memref<!tpu.dma_semaphore, #tpu.memory_space<semaphore_mem>>)
    %dma_start3A_328 = arith.constant 0 : i32
    %dma_start3A_329 = arith.constant 2304 : i32
    %dma_start3A_330 = tpu.memref_slice %arg6[%dma_start3A_328, %dma_start3A_329] : memref<8x4096xf32, #tpu.memory_space<vmem>> -> memref<8x512xf32, #tpu.memory_space<vmem>>
    %dma_start3A_331 = arith.constant 2048 : i32
    %dma_start3A_332 = tpu.memref_slice %arg2[%add3A_247, %dma_start3A_331] : memref<8192x4096xf32, #tpu.memory_space<hbm>> -> memref<8x512xf32, #tpu.memory_space<hbm>>
    %dma_start3A_333 = arith.constant 0 : i32
    %dma_start3A_334 = arith.constant 2304 : i32
    %dma_start3A_335 = tpu.memref_slice %arg6[%dma_start3A_333, %dma_start3A_334] : memref<8x4096xf32, #tpu.memory_space<vmem>> -> memref<8x512xf32, #tpu.memory_space<vmem>>
    %dma_start3A_336 = arith.constant 2048 : i32
    %dma_start3A_337 = tpu.memref_slice %arg2[%add3A_247, %dma_start3A_336] : memref<8192x4096xf32, #tpu.memory_space<hbm>> -> memref<8x512xf32, #tpu.memory_space<hbm>>
    tpu.enqueue_dma source(%dma_start3A_337 : memref<8x512xf32, #tpu.memory_space<hbm>>) target(%dma_start3A_335 : memref<8x512xf32, #tpu.memory_space<vmem>>) target_semaphore(%arg9 : memref<!tpu.dma_semaphore, #tpu.memory_space<semaphore_mem>>)
    %dma_start3A_338 = arith.constant 0 : i32
    %dma_start3A_339 = arith.constant 2816 : i32
    %dma_start3A_340 = tpu.memref_slice %arg6[%dma_start3A_338, %dma_start3A_339] : memref<8x4096xf32, #tpu.memory_space<vmem>> -> memref<8x512xf32, #tpu.memory_space<vmem>>
    %dma_start3A_341 = arith.constant 3328 : i32
    %dma_start3A_342 = tpu.memref_slice %arg2[%add3A_247, %dma_start3A_341] : memref<8192x4096xf32, #tpu.memory_space<hbm>> -> memref<8x512xf32, #tpu.memory_space<hbm>>
    %dma_start3A_343 = arith.constant 0 : i32
    %dma_start3A_344 = arith.constant 2816 : i32
    %dma_start3A_345 = tpu.memref_slice %arg6[%dma_start3A_343, %dma_start3A_344] : memref<8x4096xf32, #tpu.memory_space<vmem>> -> memref<8x512xf32, #tpu.memory_space<vmem>>
    %dma_start3A_346 = arith.constant 3328 : i32
    %dma_start3A_347 = tpu.memref_slice %arg2[%add3A_247, %dma_start3A_346] : memref<8192x4096xf32, #tpu.memory_space<hbm>> -> memref<8x512xf32, #tpu.memory_space<hbm>>
    tpu.enqueue_dma source(%dma_start3A_347 : memref<8x512xf32, #tpu.memory_space<hbm>>) target(%dma_start3A_345 : memref<8x512xf32, #tpu.memory_space<vmem>>) target_semaphore(%arg9 : memref<!tpu.dma_semaphore, #tpu.memory_space<semaphore_mem>>)
    %dma_start3A_348 = arith.constant 0 : i32
    %dma_start3A_349 = arith.constant 3328 : i32
    %dma_start3A_350 = tpu.memref_slice %arg6[%dma_start3A_348, %dma_start3A_349] : memref<8x4096xf32, #tpu.memory_space<vmem>> -> memref<8x512xf32, #tpu.memory_space<vmem>>
    %dma_start3A_351 = arith.constant 0 : i32
    %dma_start3A_352 = tpu.memref_slice %arg2[%add3A_247, %dma_start3A_351] : memref<8192x4096xf32, #tpu.memory_space<hbm>> -> memref<8x512xf32, #tpu.memory_space<hbm>>
    %dma_start3A_353 = arith.constant 0 : i32
    %dma_start3A_354 = arith.constant 3328 : i32
    %dma_start3A_355 = tpu.memref_slice %arg6[%dma_start3A_353, %dma_start3A_354] : memref<8x4096xf32, #tpu.memory_space<vmem>> -> memref<8x512xf32, #tpu.memory_space<vmem>>
    %dma_start3A_356 = arith.constant 0 : i32
    %dma_start3A_357 = tpu.memref_slice %arg2[%add3A_247, %dma_start3A_356] : memref<8192x4096xf32, #tpu.memory_space<hbm>> -> memref<8x512xf32, #tpu.memory_space<hbm>>
    tpu.enqueue_dma source(%dma_start3A_357 : memref<8x512xf32, #tpu.memory_space<hbm>>) target(%dma_start3A_355 : memref<8x512xf32, #tpu.memory_space<vmem>>) target_semaphore(%arg9 : memref<!tpu.dma_semaphore, #tpu.memory_space<semaphore_mem>>)
    %dma_start3A_358 = arith.constant 0 : i32
    %dma_start3A_359 = arith.constant 3840 : i32
    %dma_start3A_360 = tpu.memref_slice %arg6[%dma_start3A_358, %dma_start3A_359] : memref<8x4096xf32, #tpu.memory_space<vmem>> -> memref<8x256xf32, #tpu.memory_space<vmem>>
    %dma_start3A_361 = arith.constant 3072 : i32
    %dma_start3A_362 = tpu.memref_slice %arg2[%add3A_247, %dma_start3A_361] : memref<8192x4096xf32, #tpu.memory_space<hbm>> -> memref<8x256xf32, #tpu.memory_space<hbm>>
    %dma_start3A_363 = arith.constant 0 : i32
    %dma_start3A_364 = arith.constant 3840 : i32
    %dma_start3A_365 = tpu.memref_slice %arg6[%dma_start3A_363, %dma_start3A_364] : memref<8x4096xf32, #tpu.memory_space<vmem>> -> memref<8x256xf32, #tpu.memory_space<vmem>>
    %dma_start3A_366 = arith.constant 3072 : i32
    %dma_start3A_367 = tpu.memref_slice %arg2[%add3A_247, %dma_start3A_366] : memref<8192x4096xf32, #tpu.memory_space<hbm>> -> memref<8x256xf32, #tpu.memory_space<hbm>>
    tpu.enqueue_dma source(%dma_start3A_367 : memref<8x256xf32, #tpu.memory_space<hbm>>) target(%dma_start3A_365 : memref<8x256xf32, #tpu.memory_space<vmem>>) target_semaphore(%arg9 : memref<!tpu.dma_semaphore, #tpu.memory_space<semaphore_mem>>)
    %add3A_368 = arith.constant 0 : i32
    %add3A_369 = arith.addi %mul3A_2, %add3A_368 : i32
    %dma_wait3A = arith.constant 0 : i32
    %dma_wait3A_370 = tpu.memref_slice %arg2[%add3A_369, %dma_wait3A] : memref<8192x4096xf32, #tpu.memory_space<hbm>> -> memref<8x4096xf32, #tpu.memory_space<hbm>>
    %dma_wait3A_371 = arith.constant 0 : i32
    %dma_wait3A_372 = tpu.memref_slice %arg2[%add3A_369, %dma_wait3A_371] : memref<8192x4096xf32, #tpu.memory_space<hbm>> -> memref<8x4096xf32, #tpu.memory_space<hbm>>
    tpu.wait_dma2 semaphore(%arg7 : memref<!tpu.dma_semaphore, #tpu.memory_space<semaphore_mem>>) src(%dma_wait3A_372 : memref<8x4096xf32, #tpu.memory_space<hbm>>) dst(%arg4 : memref<8x4096xf32, #tpu.memory_space<vmem>>)
    %add3A_373 = arith.constant 0 : i32
    %add3A_374 = arith.addi %mul3A_2, %add3A_373 : i32
    %dma_start3A_375 = arith.constant 0 : i32
    %dma_start3A_376 = tpu.memref_slice %arg3[%add3A_374, %dma_start3A_375] : memref<8192x4096xf32, #tpu.memory_space<hbm>> -> memref<8x4096xf32, #tpu.memory_space<hbm>>
    %dma_start3A_377 = arith.constant 0 : i32
    %dma_start3A_378 = tpu.memref_slice %arg3[%add3A_374, %dma_start3A_377] : memref<8192x4096xf32, #tpu.memory_space<hbm>> -> memref<8x4096xf32, #tpu.memory_space<hbm>>
    tpu.enqueue_dma source(%arg4 : memref<8x4096xf32, #tpu.memory_space<vmem>>) target(%dma_start3A_378 : memref<8x4096xf32, #tpu.memory_space<hbm>>) target_semaphore(%arg10 : memref<!tpu.dma_semaphore, #tpu.memory_space<semaphore_mem>>)
    %scan3A = arith.constant 0 : i32
    %scan3A_379 = arith.constant 9 : i32
    %scan3A_380 = arith.addi %scan3A, %scan3A_379 : i32
    %scan3A_381 = arith.constant 1 : i32
    scf.for %scan3A_705 = %scan3A to %scan3A_380 step %scan3A_381  : i32 {
      %mul3A_706 = arith.constant 3 : i32
      %mul3A_707 = arith.muli %scan3A_705, %mul3A_706 : i32
      %add3A_708 = arith.constant 1 : i32
      %add3A_709 = arith.addi %add3A_708, %mul3A_707 : i32
      %add3A_710 = arith.constant 0 : i32
      %add3A_711 = arith.addi %add3A_709, %add3A_710 : i32
      %sub3A = arith.constant 1 : i32
      %sub3A_712 = arith.subi %add3A_711, %sub3A : i32
      %mul3A_713 = arith.constant 8 : i32
      %mul3A_714 = arith.muli %sub3A_712, %mul3A_713 : i32
      %add3A_715 = arith.addi %mul3A_2, %mul3A_714 : i32
      %dma_wait3A_716 = arith.constant 0 : i32
      %dma_wait3A_717 = tpu.memref_slice %arg3[%add3A_715, %dma_wait3A_716] : memref<8192x4096xf32, #tpu.memory_space<hbm>> -> memref<8x4096xf32, #tpu.memory_space<hbm>>
      %dma_wait3A_718 = arith.constant 0 : i32
      %dma_wait3A_719 = tpu.memref_slice %arg3[%add3A_715, %dma_wait3A_718] : memref<8192x4096xf32, #tpu.memory_space<hbm>> -> memref<8x4096xf32, #tpu.memory_space<hbm>>
      tpu.wait_dma2 semaphore(%arg10 : memref<!tpu.dma_semaphore, #tpu.memory_space<semaphore_mem>>) src(%arg4 : memref<8x4096xf32, #tpu.memory_space<vmem>>) dst(%dma_wait3A_719 : memref<8x4096xf32, #tpu.memory_space<hbm>>)
      %add3A_720 = arith.constant 2 : i32
      %add3A_721 = arith.addi %add3A_711, %add3A_720 : i32
      %mul3A_722 = arith.constant 8 : i32
      %mul3A_723 = arith.muli %add3A_721, %mul3A_722 : i32
      %add3A_724 = arith.addi %mul3A_2, %mul3A_723 : i32
      %dma_start3A_725 = arith.constant 0 : i32
      %dma_start3A_726 = arith.constant 0 : i32
      %dma_start3A_727 = tpu.memref_slice %arg4[%dma_start3A_725, %dma_start3A_726] : memref<8x4096xf32, #tpu.memory_space<vmem>> -> memref<8x256xf32, #tpu.memory_space<vmem>>
      %dma_start3A_728 = arith.constant 1792 : i32
      %dma_start3A_729 = tpu.memref_slice %arg2[%add3A_724, %dma_start3A_728] : memref<8192x4096xf32, #tpu.memory_space<hbm>> -> memref<8x256xf32, #tpu.memory_space<hbm>>
      %dma_start3A_730 = arith.constant 0 : i32
      %dma_start3A_731 = arith.constant 0 : i32
      %dma_start3A_732 = tpu.memref_slice %arg4[%dma_start3A_730, %dma_start3A_731] : memref<8x4096xf32, #tpu.memory_space<vmem>> -> memref<8x256xf32, #tpu.memory_space<vmem>>
      %dma_start3A_733 = arith.constant 1792 : i32
      %dma_start3A_734 = tpu.memref_slice %arg2[%add3A_724, %dma_start3A_733] : memref<8192x4096xf32, #tpu.memory_space<hbm>> -> memref<8x256xf32, #tpu.memory_space<hbm>>
      tpu.enqueue_dma source(%dma_start3A_734 : memref<8x256xf32, #tpu.memory_space<hbm>>) target(%dma_start3A_732 : memref<8x256xf32, #tpu.memory_space<vmem>>) target_semaphore(%arg7 : memref<!tpu.dma_semaphore, #tpu.memory_space<semaphore_mem>>)
      %dma_start3A_735 = arith.constant 0 : i32
      %dma_start3A_736 = arith.constant 256 : i32
      %dma_start3A_737 = tpu.memref_slice %arg4[%dma_start3A_735, %dma_start3A_736] : memref<8x4096xf32, #tpu.memory_space<vmem>> -> memref<8x256xf32, #tpu.memory_space<vmem>>
      %dma_start3A_738 = arith.constant 1024 : i32
      %dma_start3A_739 = tpu.memref_slice %arg2[%add3A_724, %dma_start3A_738] : memref<8192x4096xf32, #tpu.memory_space<hbm>> -> memref<8x256xf32, #tpu.memory_space<hbm>>
      %dma_start3A_740 = arith.constant 0 : i32
      %dma_start3A_741 = arith.constant 256 : i32
      %dma_start3A_742 = tpu.memref_slice %arg4[%dma_start3A_740, %dma_start3A_741] : memref<8x4096xf32, #tpu.memory_space<vmem>> -> memref<8x256xf32, #tpu.memory_space<vmem>>
      %dma_start3A_743 = arith.constant 1024 : i32
      %dma_start3A_744 = tpu.memref_slice %arg2[%add3A_724, %dma_start3A_743] : memref<8192x4096xf32, #tpu.memory_space<hbm>> -> memref<8x256xf32, #tpu.memory_space<hbm>>
      tpu.enqueue_dma source(%dma_start3A_744 : memref<8x256xf32, #tpu.memory_space<hbm>>) target(%dma_start3A_742 : memref<8x256xf32, #tpu.memory_space<vmem>>) target_semaphore(%arg7 : memref<!tpu.dma_semaphore, #tpu.memory_space<semaphore_mem>>)
      %dma_start3A_745 = arith.constant 0 : i32
      %dma_start3A_746 = arith.constant 512 : i32
      %dma_start3A_747 = tpu.memref_slice %arg4[%dma_start3A_745, %dma_start3A_746] : memref<8x4096xf32, #tpu.memory_space<vmem>> -> memref<8x256xf32, #tpu.memory_space<vmem>>
      %dma_start3A_748 = arith.constant 512 : i32
      %dma_start3A_749 = tpu.memref_slice %arg2[%add3A_724, %dma_start3A_748] : memref<8192x4096xf32, #tpu.memory_space<hbm>> -> memref<8x256xf32, #tpu.memory_space<hbm>>
      %dma_start3A_750 = arith.constant 0 : i32
      %dma_start3A_751 = arith.constant 512 : i32
      %dma_start3A_752 = tpu.memref_slice %arg4[%dma_start3A_750, %dma_start3A_751] : memref<8x4096xf32, #tpu.memory_space<vmem>> -> memref<8x256xf32, #tpu.memory_space<vmem>>
      %dma_start3A_753 = arith.constant 512 : i32
      %dma_start3A_754 = tpu.memref_slice %arg2[%add3A_724, %dma_start3A_753] : memref<8192x4096xf32, #tpu.memory_space<hbm>> -> memref<8x256xf32, #tpu.memory_space<hbm>>
      tpu.enqueue_dma source(%dma_start3A_754 : memref<8x256xf32, #tpu.memory_space<hbm>>) target(%dma_start3A_752 : memref<8x256xf32, #tpu.memory_space<vmem>>) target_semaphore(%arg7 : memref<!tpu.dma_semaphore, #tpu.memory_space<semaphore_mem>>)
      %dma_start3A_755 = arith.constant 0 : i32
      %dma_start3A_756 = arith.constant 768 : i32
      %dma_start3A_757 = tpu.memref_slice %arg4[%dma_start3A_755, %dma_start3A_756] : memref<8x4096xf32, #tpu.memory_space<vmem>> -> memref<8x256xf32, #tpu.memory_space<vmem>>
      %dma_start3A_758 = arith.constant 1280 : i32
      %dma_start3A_759 = tpu.memref_slice %arg2[%add3A_724, %dma_start3A_758] : memref<8192x4096xf32, #tpu.memory_space<hbm>> -> memref<8x256xf32, #tpu.memory_space<hbm>>
      %dma_start3A_760 = arith.constant 0 : i32
      %dma_start3A_761 = arith.constant 768 : i32
      %dma_start3A_762 = tpu.memref_slice %arg4[%dma_start3A_760, %dma_start3A_761] : memref<8x4096xf32, #tpu.memory_space<vmem>> -> memref<8x256xf32, #tpu.memory_space<vmem>>
      %dma_start3A_763 = arith.constant 1280 : i32
      %dma_start3A_764 = tpu.memref_slice %arg2[%add3A_724, %dma_start3A_763] : memref<8192x4096xf32, #tpu.memory_space<hbm>> -> memref<8x256xf32, #tpu.memory_space<hbm>>
      tpu.enqueue_dma source(%dma_start3A_764 : memref<8x256xf32, #tpu.memory_space<hbm>>) target(%dma_start3A_762 : memref<8x256xf32, #tpu.memory_space<vmem>>) target_semaphore(%arg7 : memref<!tpu.dma_semaphore, #tpu.memory_space<semaphore_mem>>)
      %dma_start3A_765 = arith.constant 0 : i32
      %dma_start3A_766 = arith.constant 1024 : i32
      %dma_start3A_767 = tpu.memref_slice %arg4[%dma_start3A_765, %dma_start3A_766] : memref<8x4096xf32, #tpu.memory_space<vmem>> -> memref<8x256xf32, #tpu.memory_space<vmem>>
      %dma_start3A_768 = arith.constant 768 : i32
      %dma_start3A_769 = tpu.memref_slice %arg2[%add3A_724, %dma_start3A_768] : memref<8192x4096xf32, #tpu.memory_space<hbm>> -> memref<8x256xf32, #tpu.memory_space<hbm>>
      %dma_start3A_770 = arith.constant 0 : i32
      %dma_start3A_771 = arith.constant 1024 : i32
      %dma_start3A_772 = tpu.memref_slice %arg4[%dma_start3A_770, %dma_start3A_771] : memref<8x4096xf32, #tpu.memory_space<vmem>> -> memref<8x256xf32, #tpu.memory_space<vmem>>
      %dma_start3A_773 = arith.constant 768 : i32
      %dma_start3A_774 = tpu.memref_slice %arg2[%add3A_724, %dma_start3A_773] : memref<8192x4096xf32, #tpu.memory_space<hbm>> -> memref<8x256xf32, #tpu.memory_space<hbm>>
      tpu.enqueue_dma source(%dma_start3A_774 : memref<8x256xf32, #tpu.memory_space<hbm>>) target(%dma_start3A_772 : memref<8x256xf32, #tpu.memory_space<vmem>>) target_semaphore(%arg7 : memref<!tpu.dma_semaphore, #tpu.memory_space<semaphore_mem>>)
      %dma_start3A_775 = arith.constant 0 : i32
      %dma_start3A_776 = arith.constant 1280 : i32
      %dma_start3A_777 = tpu.memref_slice %arg4[%dma_start3A_775, %dma_start3A_776] : memref<8x4096xf32, #tpu.memory_space<vmem>> -> memref<8x256xf32, #tpu.memory_space<vmem>>
      %dma_start3A_778 = arith.constant 1536 : i32
      %dma_start3A_779 = tpu.memref_slice %arg2[%add3A_724, %dma_start3A_778] : memref<8192x4096xf32, #tpu.memory_space<hbm>> -> memref<8x256xf32, #tpu.memory_space<hbm>>
      %dma_start3A_780 = arith.constant 0 : i32
      %dma_start3A_781 = arith.constant 1280 : i32
      %dma_start3A_782 = tpu.memref_slice %arg4[%dma_start3A_780, %dma_start3A_781] : memref<8x4096xf32, #tpu.memory_space<vmem>> -> memref<8x256xf32, #tpu.memory_space<vmem>>
      %dma_start3A_783 = arith.constant 1536 : i32
      %dma_start3A_784 = tpu.memref_slice %arg2[%add3A_724, %dma_start3A_783] : memref<8192x4096xf32, #tpu.memory_space<hbm>> -> memref<8x256xf32, #tpu.memory_space<hbm>>
      tpu.enqueue_dma source(%dma_start3A_784 : memref<8x256xf32, #tpu.memory_space<hbm>>) target(%dma_start3A_782 : memref<8x256xf32, #tpu.memory_space<vmem>>) target_semaphore(%arg7 : memref<!tpu.dma_semaphore, #tpu.memory_space<semaphore_mem>>)
      %dma_start3A_785 = arith.constant 0 : i32
      %dma_start3A_786 = arith.constant 1536 : i32
      %dma_start3A_787 = tpu.memref_slice %arg4[%dma_start3A_785, %dma_start3A_786] : memref<8x4096xf32, #tpu.memory_space<vmem>> -> memref<8x512xf32, #tpu.memory_space<vmem>>
      %dma_start3A_788 = arith.constant 2560 : i32
      %dma_start3A_789 = tpu.memref_slice %arg2[%add3A_724, %dma_start3A_788] : memref<8192x4096xf32, #tpu.memory_space<hbm>> -> memref<8x512xf32, #tpu.memory_space<hbm>>
      %dma_start3A_790 = arith.constant 0 : i32
      %dma_start3A_791 = arith.constant 1536 : i32
      %dma_start3A_792 = tpu.memref_slice %arg4[%dma_start3A_790, %dma_start3A_791] : memref<8x4096xf32, #tpu.memory_space<vmem>> -> memref<8x512xf32, #tpu.memory_space<vmem>>
      %dma_start3A_793 = arith.constant 2560 : i32
      %dma_start3A_794 = tpu.memref_slice %arg2[%add3A_724, %dma_start3A_793] : memref<8192x4096xf32, #tpu.memory_space<hbm>> -> memref<8x512xf32, #tpu.memory_space<hbm>>
      tpu.enqueue_dma source(%dma_start3A_794 : memref<8x512xf32, #tpu.memory_space<hbm>>) target(%dma_start3A_792 : memref<8x512xf32, #tpu.memory_space<vmem>>) target_semaphore(%arg7 : memref<!tpu.dma_semaphore, #tpu.memory_space<semaphore_mem>>)
      %dma_start3A_795 = arith.constant 0 : i32
      %dma_start3A_796 = arith.constant 2048 : i32
      %dma_start3A_797 = tpu.memref_slice %arg4[%dma_start3A_795, %dma_start3A_796] : memref<8x4096xf32, #tpu.memory_space<vmem>> -> memref<8x256xf32, #tpu.memory_space<vmem>>
      %dma_start3A_798 = arith.constant 3840 : i32
      %dma_start3A_799 = tpu.memref_slice %arg2[%add3A_724, %dma_start3A_798] : memref<8192x4096xf32, #tpu.memory_space<hbm>> -> memref<8x256xf32, #tpu.memory_space<hbm>>
      %dma_start3A_800 = arith.constant 0 : i32
      %dma_start3A_801 = arith.constant 2048 : i32
      %dma_start3A_802 = tpu.memref_slice %arg4[%dma_start3A_800, %dma_start3A_801] : memref<8x4096xf32, #tpu.memory_space<vmem>> -> memref<8x256xf32, #tpu.memory_space<vmem>>
      %dma_start3A_803 = arith.constant 3840 : i32
      %dma_start3A_804 = tpu.memref_slice %arg2[%add3A_724, %dma_start3A_803] : memref<8192x4096xf32, #tpu.memory_space<hbm>> -> memref<8x256xf32, #tpu.memory_space<hbm>>
      tpu.enqueue_dma source(%dma_start3A_804 : memref<8x256xf32, #tpu.memory_space<hbm>>) target(%dma_start3A_802 : memref<8x256xf32, #tpu.memory_space<vmem>>) target_semaphore(%arg7 : memref<!tpu.dma_semaphore, #tpu.memory_space<semaphore_mem>>)
      %dma_start3A_805 = arith.constant 0 : i32
      %dma_start3A_806 = arith.constant 2304 : i32
      %dma_start3A_807 = tpu.memref_slice %arg4[%dma_start3A_805, %dma_start3A_806] : memref<8x4096xf32, #tpu.memory_space<vmem>> -> memref<8x512xf32, #tpu.memory_space<vmem>>
      %dma_start3A_808 = arith.constant 2048 : i32
      %dma_start3A_809 = tpu.memref_slice %arg2[%add3A_724, %dma_start3A_808] : memref<8192x4096xf32, #tpu.memory_space<hbm>> -> memref<8x512xf32, #tpu.memory_space<hbm>>
      %dma_start3A_810 = arith.constant 0 : i32
      %dma_start3A_811 = arith.constant 2304 : i32
      %dma_start3A_812 = tpu.memref_slice %arg4[%dma_start3A_810, %dma_start3A_811] : memref<8x4096xf32, #tpu.memory_space<vmem>> -> memref<8x512xf32, #tpu.memory_space<vmem>>
      %dma_start3A_813 = arith.constant 2048 : i32
      %dma_start3A_814 = tpu.memref_slice %arg2[%add3A_724, %dma_start3A_813] : memref<8192x4096xf32, #tpu.memory_space<hbm>> -> memref<8x512xf32, #tpu.memory_space<hbm>>
      tpu.enqueue_dma source(%dma_start3A_814 : memref<8x512xf32, #tpu.memory_space<hbm>>) target(%dma_start3A_812 : memref<8x512xf32, #tpu.memory_space<vmem>>) target_semaphore(%arg7 : memref<!tpu.dma_semaphore, #tpu.memory_space<semaphore_mem>>)
      %dma_start3A_815 = arith.constant 0 : i32
      %dma_start3A_816 = arith.constant 2816 : i32
      %dma_start3A_817 = tpu.memref_slice %arg4[%dma_start3A_815, %dma_start3A_816] : memref<8x4096xf32, #tpu.memory_space<vmem>> -> memref<8x512xf32, #tpu.memory_space<vmem>>
      %dma_start3A_818 = arith.constant 3328 : i32
      %dma_start3A_819 = tpu.memref_slice %arg2[%add3A_724, %dma_start3A_818] : memref<8192x4096xf32, #tpu.memory_space<hbm>> -> memref<8x512xf32, #tpu.memory_space<hbm>>
      %dma_start3A_820 = arith.constant 0 : i32
      %dma_start3A_821 = arith.constant 2816 : i32
      %dma_start3A_822 = tpu.memref_slice %arg4[%dma_start3A_820, %dma_start3A_821] : memref<8x4096xf32, #tpu.memory_space<vmem>> -> memref<8x512xf32, #tpu.memory_space<vmem>>
      %dma_start3A_823 = arith.constant 3328 : i32
      %dma_start3A_824 = tpu.memref_slice %arg2[%add3A_724, %dma_start3A_823] : memref<8192x4096xf32, #tpu.memory_space<hbm>> -> memref<8x512xf32, #tpu.memory_space<hbm>>
      tpu.enqueue_dma source(%dma_start3A_824 : memref<8x512xf32, #tpu.memory_space<hbm>>) target(%dma_start3A_822 : memref<8x512xf32, #tpu.memory_space<vmem>>) target_semaphore(%arg7 : memref<!tpu.dma_semaphore, #tpu.memory_space<semaphore_mem>>)
      %dma_start3A_825 = arith.constant 0 : i32
      %dma_start3A_826 = arith.constant 3328 : i32
      %dma_start3A_827 = tpu.memref_slice %arg4[%dma_start3A_825, %dma_start3A_826] : memref<8x4096xf32, #tpu.memory_space<vmem>> -> memref<8x512xf32, #tpu.memory_space<vmem>>
      %dma_start3A_828 = arith.constant 0 : i32
      %dma_start3A_829 = tpu.memref_slice %arg2[%add3A_724, %dma_start3A_828] : memref<8192x4096xf32, #tpu.memory_space<hbm>> -> memref<8x512xf32, #tpu.memory_space<hbm>>
      %dma_start3A_830 = arith.constant 0 : i32
      %dma_start3A_831 = arith.constant 3328 : i32
      %dma_start3A_832 = tpu.memref_slice %arg4[%dma_start3A_830, %dma_start3A_831] : memref<8x4096xf32, #tpu.memory_space<vmem>> -> memref<8x512xf32, #tpu.memory_space<vmem>>
      %dma_start3A_833 = arith.constant 0 : i32
      %dma_start3A_834 = tpu.memref_slice %arg2[%add3A_724, %dma_start3A_833] : memref<8192x4096xf32, #tpu.memory_space<hbm>> -> memref<8x512xf32, #tpu.memory_space<hbm>>
      tpu.enqueue_dma source(%dma_start3A_834 : memref<8x512xf32, #tpu.memory_space<hbm>>) target(%dma_start3A_832 : memref<8x512xf32, #tpu.memory_space<vmem>>) target_semaphore(%arg7 : memref<!tpu.dma_semaphore, #tpu.memory_space<semaphore_mem>>)
      %dma_start3A_835 = arith.constant 0 : i32
      %dma_start3A_836 = arith.constant 3840 : i32
      %dma_start3A_837 = tpu.memref_slice %arg4[%dma_start3A_835, %dma_start3A_836] : memref<8x4096xf32, #tpu.memory_space<vmem>> -> memref<8x256xf32, #tpu.memory_space<vmem>>
      %dma_start3A_838 = arith.constant 3072 : i32
      %dma_start3A_839 = tpu.memref_slice %arg2[%add3A_724, %dma_start3A_838] : memref<8192x4096xf32, #tpu.memory_space<hbm>> -> memref<8x256xf32, #tpu.memory_space<hbm>>
      %dma_start3A_840 = arith.constant 0 : i32
      %dma_start3A_841 = arith.constant 3840 : i32
      %dma_start3A_842 = tpu.memref_slice %arg4[%dma_start3A_840, %dma_start3A_841] : memref<8x4096xf32, #tpu.memory_space<vmem>> -> memref<8x256xf32, #tpu.memory_space<vmem>>
      %dma_start3A_843 = arith.constant 3072 : i32
      %dma_start3A_844 = tpu.memref_slice %arg2[%add3A_724, %dma_start3A_843] : memref<8192x4096xf32, #tpu.memory_space<hbm>> -> memref<8x256xf32, #tpu.memory_space<hbm>>
      tpu.enqueue_dma source(%dma_start3A_844 : memref<8x256xf32, #tpu.memory_space<hbm>>) target(%dma_start3A_842 : memref<8x256xf32, #tpu.memory_space<vmem>>) target_semaphore(%arg7 : memref<!tpu.dma_semaphore, #tpu.memory_space<semaphore_mem>>)
      %mul3A_845 = arith.constant 8 : i32
      %mul3A_846 = arith.muli %add3A_711, %mul3A_845 : i32
      %add3A_847 = arith.addi %mul3A_2, %mul3A_846 : i32
      %dma_wait3A_848 = arith.constant 0 : i32
      %dma_wait3A_849 = tpu.memref_slice %arg2[%add3A_847, %dma_wait3A_848] : memref<8192x4096xf32, #tpu.memory_space<hbm>> -> memref<8x4096xf32, #tpu.memory_space<hbm>>
      %dma_wait3A_850 = arith.constant 0 : i32
      %dma_wait3A_851 = tpu.memref_slice %arg2[%add3A_847, %dma_wait3A_850] : memref<8192x4096xf32, #tpu.memory_space<hbm>> -> memref<8x4096xf32, #tpu.memory_space<hbm>>
      tpu.wait_dma2 semaphore(%arg8 : memref<!tpu.dma_semaphore, #tpu.memory_space<semaphore_mem>>) src(%dma_wait3A_851 : memref<8x4096xf32, #tpu.memory_space<hbm>>) dst(%arg5 : memref<8x4096xf32, #tpu.memory_space<vmem>>)
      %mul3A_852 = arith.constant 8 : i32
      %mul3A_853 = arith.muli %add3A_711, %mul3A_852 : i32
      %add3A_854 = arith.addi %mul3A_2, %mul3A_853 : i32
      %dma_start3A_855 = arith.constant 0 : i32
      %dma_start3A_856 = tpu.memref_slice %arg3[%add3A_854, %dma_start3A_855] : memref<8192x4096xf32, #tpu.memory_space<hbm>> -> memref<8x4096xf32, #tpu.memory_space<hbm>>
      %dma_start3A_857 = arith.constant 0 : i32
      %dma_start3A_858 = tpu.memref_slice %arg3[%add3A_854, %dma_start3A_857] : memref<8192x4096xf32, #tpu.memory_space<hbm>> -> memref<8x4096xf32, #tpu.memory_space<hbm>>
      tpu.enqueue_dma source(%arg5 : memref<8x4096xf32, #tpu.memory_space<vmem>>) target(%dma_start3A_858 : memref<8x4096xf32, #tpu.memory_space<hbm>>) target_semaphore(%arg11 : memref<!tpu.dma_semaphore, #tpu.memory_space<semaphore_mem>>)
      %add3A_859 = arith.constant 1 : i32
      %add3A_860 = arith.addi %add3A_709, %add3A_859 : i32
      %sub3A_861 = arith.constant 1 : i32
      %sub3A_862 = arith.subi %add3A_860, %sub3A_861 : i32
      %mul3A_863 = arith.constant 8 : i32
      %mul3A_864 = arith.muli %sub3A_862, %mul3A_863 : i32
      %add3A_865 = arith.addi %mul3A_2, %mul3A_864 : i32
      %dma_wait3A_866 = arith.constant 0 : i32
      %dma_wait3A_867 = tpu.memref_slice %arg3[%add3A_865, %dma_wait3A_866] : memref<8192x4096xf32, #tpu.memory_space<hbm>> -> memref<8x4096xf32, #tpu.memory_space<hbm>>
      %dma_wait3A_868 = arith.constant 0 : i32
      %dma_wait3A_869 = tpu.memref_slice %arg3[%add3A_865, %dma_wait3A_868] : memref<8192x4096xf32, #tpu.memory_space<hbm>> -> memref<8x4096xf32, #tpu.memory_space<hbm>>
      tpu.wait_dma2 semaphore(%arg11 : memref<!tpu.dma_semaphore, #tpu.memory_space<semaphore_mem>>) src(%arg5 : memref<8x4096xf32, #tpu.memory_space<vmem>>) dst(%dma_wait3A_869 : memref<8x4096xf32, #tpu.memory_space<hbm>>)
      %add3A_870 = arith.constant 2 : i32
      %add3A_871 = arith.addi %add3A_860, %add3A_870 : i32
      %mul3A_872 = arith.constant 8 : i32
      %mul3A_873 = arith.muli %add3A_871, %mul3A_872 : i32
      %add3A_874 = arith.addi %mul3A_2, %mul3A_873 : i32
      %dma_start3A_875 = arith.constant 0 : i32
      %dma_start3A_876 = arith.constant 0 : i32
      %dma_start3A_877 = tpu.memref_slice %arg5[%dma_start3A_875, %dma_start3A_876] : memref<8x4096xf32, #tpu.memory_space<vmem>> -> memref<8x256xf32, #tpu.memory_space<vmem>>
      %dma_start3A_878 = arith.constant 1792 : i32
      %dma_start3A_879 = tpu.memref_slice %arg2[%add3A_874, %dma_start3A_878] : memref<8192x4096xf32, #tpu.memory_space<hbm>> -> memref<8x256xf32, #tpu.memory_space<hbm>>
      %dma_start3A_880 = arith.constant 0 : i32
      %dma_start3A_881 = arith.constant 0 : i32
      %dma_start3A_882 = tpu.memref_slice %arg5[%dma_start3A_880, %dma_start3A_881] : memref<8x4096xf32, #tpu.memory_space<vmem>> -> memref<8x256xf32, #tpu.memory_space<vmem>>
      %dma_start3A_883 = arith.constant 1792 : i32
      %dma_start3A_884 = tpu.memref_slice %arg2[%add3A_874, %dma_start3A_883] : memref<8192x4096xf32, #tpu.memory_space<hbm>> -> memref<8x256xf32, #tpu.memory_space<hbm>>
      tpu.enqueue_dma source(%dma_start3A_884 : memref<8x256xf32, #tpu.memory_space<hbm>>) target(%dma_start3A_882 : memref<8x256xf32, #tpu.memory_space<vmem>>) target_semaphore(%arg8 : memref<!tpu.dma_semaphore, #tpu.memory_space<semaphore_mem>>)
      %dma_start3A_885 = arith.constant 0 : i32
      %dma_start3A_886 = arith.constant 256 : i32
      %dma_start3A_887 = tpu.memref_slice %arg5[%dma_start3A_885, %dma_start3A_886] : memref<8x4096xf32, #tpu.memory_space<vmem>> -> memref<8x256xf32, #tpu.memory_space<vmem>>
      %dma_start3A_888 = arith.constant 1024 : i32
      %dma_start3A_889 = tpu.memref_slice %arg2[%add3A_874, %dma_start3A_888] : memref<8192x4096xf32, #tpu.memory_space<hbm>> -> memref<8x256xf32, #tpu.memory_space<hbm>>
      %dma_start3A_890 = arith.constant 0 : i32
      %dma_start3A_891 = arith.constant 256 : i32
      %dma_start3A_892 = tpu.memref_slice %arg5[%dma_start3A_890, %dma_start3A_891] : memref<8x4096xf32, #tpu.memory_space<vmem>> -> memref<8x256xf32, #tpu.memory_space<vmem>>
      %dma_start3A_893 = arith.constant 1024 : i32
      %dma_start3A_894 = tpu.memref_slice %arg2[%add3A_874, %dma_start3A_893] : memref<8192x4096xf32, #tpu.memory_space<hbm>> -> memref<8x256xf32, #tpu.memory_space<hbm>>
      tpu.enqueue_dma source(%dma_start3A_894 : memref<8x256xf32, #tpu.memory_space<hbm>>) target(%dma_start3A_892 : memref<8x256xf32, #tpu.memory_space<vmem>>) target_semaphore(%arg8 : memref<!tpu.dma_semaphore, #tpu.memory_space<semaphore_mem>>)
      %dma_start3A_895 = arith.constant 0 : i32
      %dma_start3A_896 = arith.constant 512 : i32
      %dma_start3A_897 = tpu.memref_slice %arg5[%dma_start3A_895, %dma_start3A_896] : memref<8x4096xf32, #tpu.memory_space<vmem>> -> memref<8x256xf32, #tpu.memory_space<vmem>>
      %dma_start3A_898 = arith.constant 512 : i32
      %dma_start3A_899 = tpu.memref_slice %arg2[%add3A_874, %dma_start3A_898] : memref<8192x4096xf32, #tpu.memory_space<hbm>> -> memref<8x256xf32, #tpu.memory_space<hbm>>
      %dma_start3A_900 = arith.constant 0 : i32
      %dma_start3A_901 = arith.constant 512 : i32
      %dma_start3A_902 = tpu.memref_slice %arg5[%dma_start3A_900, %dma_start3A_901] : memref<8x4096xf32, #tpu.memory_space<vmem>> -> memref<8x256xf32, #tpu.memory_space<vmem>>
      %dma_start3A_903 = arith.constant 512 : i32
      %dma_start3A_904 = tpu.memref_slice %arg2[%add3A_874, %dma_start3A_903] : memref<8192x4096xf32, #tpu.memory_space<hbm>> -> memref<8x256xf32, #tpu.memory_space<hbm>>
      tpu.enqueue_dma source(%dma_start3A_904 : memref<8x256xf32, #tpu.memory_space<hbm>>) target(%dma_start3A_902 : memref<8x256xf32, #tpu.memory_space<vmem>>) target_semaphore(%arg8 : memref<!tpu.dma_semaphore, #tpu.memory_space<semaphore_mem>>)
      %dma_start3A_905 = arith.constant 0 : i32
      %dma_start3A_906 = arith.constant 768 : i32
      %dma_start3A_907 = tpu.memref_slice %arg5[%dma_start3A_905, %dma_start3A_906] : memref<8x4096xf32, #tpu.memory_space<vmem>> -> memref<8x256xf32, #tpu.memory_space<vmem>>
      %dma_start3A_908 = arith.constant 1280 : i32
      %dma_start3A_909 = tpu.memref_slice %arg2[%add3A_874, %dma_start3A_908] : memref<8192x4096xf32, #tpu.memory_space<hbm>> -> memref<8x256xf32, #tpu.memory_space<hbm>>
      %dma_start3A_910 = arith.constant 0 : i32
      %dma_start3A_911 = arith.constant 768 : i32
      %dma_start3A_912 = tpu.memref_slice %arg5[%dma_start3A_910, %dma_start3A_911] : memref<8x4096xf32, #tpu.memory_space<vmem>> -> memref<8x256xf32, #tpu.memory_space<vmem>>
      %dma_start3A_913 = arith.constant 1280 : i32
      %dma_start3A_914 = tpu.memref_slice %arg2[%add3A_874, %dma_start3A_913] : memref<8192x4096xf32, #tpu.memory_space<hbm>> -> memref<8x256xf32, #tpu.memory_space<hbm>>
      tpu.enqueue_dma source(%dma_start3A_914 : memref<8x256xf32, #tpu.memory_space<hbm>>) target(%dma_start3A_912 : memref<8x256xf32, #tpu.memory_space<vmem>>) target_semaphore(%arg8 : memref<!tpu.dma_semaphore, #tpu.memory_space<semaphore_mem>>)
      %dma_start3A_915 = arith.constant 0 : i32
      %dma_start3A_916 = arith.constant 1024 : i32
      %dma_start3A_917 = tpu.memref_slice %arg5[%dma_start3A_915, %dma_start3A_916] : memref<8x4096xf32, #tpu.memory_space<vmem>> -> memref<8x256xf32, #tpu.memory_space<vmem>>
      %dma_start3A_918 = arith.constant 768 : i32
      %dma_start3A_919 = tpu.memref_slice %arg2[%add3A_874, %dma_start3A_918] : memref<8192x4096xf32, #tpu.memory_space<hbm>> -> memref<8x256xf32, #tpu.memory_space<hbm>>
      %dma_start3A_920 = arith.constant 0 : i32
      %dma_start3A_921 = arith.constant 1024 : i32
      %dma_start3A_922 = tpu.memref_slice %arg5[%dma_start3A_920, %dma_start3A_921] : memref<8x4096xf32, #tpu.memory_space<vmem>> -> memref<8x256xf32, #tpu.memory_space<vmem>>
      %dma_start3A_923 = arith.constant 768 : i32
      %dma_start3A_924 = tpu.memref_slice %arg2[%add3A_874, %dma_start3A_923] : memref<8192x4096xf32, #tpu.memory_space<hbm>> -> memref<8x256xf32, #tpu.memory_space<hbm>>
      tpu.enqueue_dma source(%dma_start3A_924 : memref<8x256xf32, #tpu.memory_space<hbm>>) target(%dma_start3A_922 : memref<8x256xf32, #tpu.memory_space<vmem>>) target_semaphore(%arg8 : memref<!tpu.dma_semaphore, #tpu.memory_space<semaphore_mem>>)
      %dma_start3A_925 = arith.constant 0 : i32
      %dma_start3A_926 = arith.constant 1280 : i32
      %dma_start3A_927 = tpu.memref_slice %arg5[%dma_start3A_925, %dma_start3A_926] : memref<8x4096xf32, #tpu.memory_space<vmem>> -> memref<8x256xf32, #tpu.memory_space<vmem>>
      %dma_start3A_928 = arith.constant 1536 : i32
      %dma_start3A_929 = tpu.memref_slice %arg2[%add3A_874, %dma_start3A_928] : memref<8192x4096xf32, #tpu.memory_space<hbm>> -> memref<8x256xf32, #tpu.memory_space<hbm>>
      %dma_start3A_930 = arith.constant 0 : i32
      %dma_start3A_931 = arith.constant 1280 : i32
      %dma_start3A_932 = tpu.memref_slice %arg5[%dma_start3A_930, %dma_start3A_931] : memref<8x4096xf32, #tpu.memory_space<vmem>> -> memref<8x256xf32, #tpu.memory_space<vmem>>
      %dma_start3A_933 = arith.constant 1536 : i32
      %dma_start3A_934 = tpu.memref_slice %arg2[%add3A_874, %dma_start3A_933] : memref<8192x4096xf32, #tpu.memory_space<hbm>> -> memref<8x256xf32, #tpu.memory_space<hbm>>
      tpu.enqueue_dma source(%dma_start3A_934 : memref<8x256xf32, #tpu.memory_space<hbm>>) target(%dma_start3A_932 : memref<8x256xf32, #tpu.memory_space<vmem>>) target_semaphore(%arg8 : memref<!tpu.dma_semaphore, #tpu.memory_space<semaphore_mem>>)
      %dma_start3A_935 = arith.constant 0 : i32
      %dma_start3A_936 = arith.constant 1536 : i32
      %dma_start3A_937 = tpu.memref_slice %arg5[%dma_start3A_935, %dma_start3A_936] : memref<8x4096xf32, #tpu.memory_space<vmem>> -> memref<8x512xf32, #tpu.memory_space<vmem>>
      %dma_start3A_938 = arith.constant 2560 : i32
      %dma_start3A_939 = tpu.memref_slice %arg2[%add3A_874, %dma_start3A_938] : memref<8192x4096xf32, #tpu.memory_space<hbm>> -> memref<8x512xf32, #tpu.memory_space<hbm>>
      %dma_start3A_940 = arith.constant 0 : i32
      %dma_start3A_941 = arith.constant 1536 : i32
      %dma_start3A_942 = tpu.memref_slice %arg5[%dma_start3A_940, %dma_start3A_941] : memref<8x4096xf32, #tpu.memory_space<vmem>> -> memref<8x512xf32, #tpu.memory_space<vmem>>
      %dma_start3A_943 = arith.constant 2560 : i32
      %dma_start3A_944 = tpu.memref_slice %arg2[%add3A_874, %dma_start3A_943] : memref<8192x4096xf32, #tpu.memory_space<hbm>> -> memref<8x512xf32, #tpu.memory_space<hbm>>
      tpu.enqueue_dma source(%dma_start3A_944 : memref<8x512xf32, #tpu.memory_space<hbm>>) target(%dma_start3A_942 : memref<8x512xf32, #tpu.memory_space<vmem>>) target_semaphore(%arg8 : memref<!tpu.dma_semaphore, #tpu.memory_space<semaphore_mem>>)
      %dma_start3A_945 = arith.constant 0 : i32
      %dma_start3A_946 = arith.constant 2048 : i32
      %dma_start3A_947 = tpu.memref_slice %arg5[%dma_start3A_945, %dma_start3A_946] : memref<8x4096xf32, #tpu.memory_space<vmem>> -> memref<8x256xf32, #tpu.memory_space<vmem>>
      %dma_start3A_948 = arith.constant 3840 : i32
      %dma_start3A_949 = tpu.memref_slice %arg2[%add3A_874, %dma_start3A_948] : memref<8192x4096xf32, #tpu.memory_space<hbm>> -> memref<8x256xf32, #tpu.memory_space<hbm>>
      %dma_start3A_950 = arith.constant 0 : i32
      %dma_start3A_951 = arith.constant 2048 : i32
      %dma_start3A_952 = tpu.memref_slice %arg5[%dma_start3A_950, %dma_start3A_951] : memref<8x4096xf32, #tpu.memory_space<vmem>> -> memref<8x256xf32, #tpu.memory_space<vmem>>
      %dma_start3A_953 = arith.constant 3840 : i32
      %dma_start3A_954 = tpu.memref_slice %arg2[%add3A_874, %dma_start3A_953] : memref<8192x4096xf32, #tpu.memory_space<hbm>> -> memref<8x256xf32, #tpu.memory_space<hbm>>
      tpu.enqueue_dma source(%dma_start3A_954 : memref<8x256xf32, #tpu.memory_space<hbm>>) target(%dma_start3A_952 : memref<8x256xf32, #tpu.memory_space<vmem>>) target_semaphore(%arg8 : memref<!tpu.dma_semaphore, #tpu.memory_space<semaphore_mem>>)
      %dma_start3A_955 = arith.constant 0 : i32
      %dma_start3A_956 = arith.constant 2304 : i32
      %dma_start3A_957 = tpu.memref_slice %arg5[%dma_start3A_955, %dma_start3A_956] : memref<8x4096xf32, #tpu.memory_space<vmem>> -> memref<8x512xf32, #tpu.memory_space<vmem>>
      %dma_start3A_958 = arith.constant 2048 : i32
      %dma_start3A_959 = tpu.memref_slice %arg2[%add3A_874, %dma_start3A_958] : memref<8192x4096xf32, #tpu.memory_space<hbm>> -> memref<8x512xf32, #tpu.memory_space<hbm>>
      %dma_start3A_960 = arith.constant 0 : i32
      %dma_start3A_961 = arith.constant 2304 : i32
      %dma_start3A_962 = tpu.memref_slice %arg5[%dma_start3A_960, %dma_start3A_961] : memref<8x4096xf32, #tpu.memory_space<vmem>> -> memref<8x512xf32, #tpu.memory_space<vmem>>
      %dma_start3A_963 = arith.constant 2048 : i32
      %dma_start3A_964 = tpu.memref_slice %arg2[%add3A_874, %dma_start3A_963] : memref<8192x4096xf32, #tpu.memory_space<hbm>> -> memref<8x512xf32, #tpu.memory_space<hbm>>
      tpu.enqueue_dma source(%dma_start3A_964 : memref<8x512xf32, #tpu.memory_space<hbm>>) target(%dma_start3A_962 : memref<8x512xf32, #tpu.memory_space<vmem>>) target_semaphore(%arg8 : memref<!tpu.dma_semaphore, #tpu.memory_space<semaphore_mem>>)
      %dma_start3A_965 = arith.constant 0 : i32
      %dma_start3A_966 = arith.constant 2816 : i32
      %dma_start3A_967 = tpu.memref_slice %arg5[%dma_start3A_965, %dma_start3A_966] : memref<8x4096xf32, #tpu.memory_space<vmem>> -> memref<8x512xf32, #tpu.memory_space<vmem>>
      %dma_start3A_968 = arith.constant 3328 : i32
      %dma_start3A_969 = tpu.memref_slice %arg2[%add3A_874, %dma_start3A_968] : memref<8192x4096xf32, #tpu.memory_space<hbm>> -> memref<8x512xf32, #tpu.memory_space<hbm>>
      %dma_start3A_970 = arith.constant 0 : i32
      %dma_start3A_971 = arith.constant 2816 : i32
      %dma_start3A_972 = tpu.memref_slice %arg5[%dma_start3A_970, %dma_start3A_971] : memref<8x4096xf32, #tpu.memory_space<vmem>> -> memref<8x512xf32, #tpu.memory_space<vmem>>
      %dma_start3A_973 = arith.constant 3328 : i32
      %dma_start3A_974 = tpu.memref_slice %arg2[%add3A_874, %dma_start3A_973] : memref<8192x4096xf32, #tpu.memory_space<hbm>> -> memref<8x512xf32, #tpu.memory_space<hbm>>
      tpu.enqueue_dma source(%dma_start3A_974 : memref<8x512xf32, #tpu.memory_space<hbm>>) target(%dma_start3A_972 : memref<8x512xf32, #tpu.memory_space<vmem>>) target_semaphore(%arg8 : memref<!tpu.dma_semaphore, #tpu.memory_space<semaphore_mem>>)
      %dma_start3A_975 = arith.constant 0 : i32
      %dma_start3A_976 = arith.constant 3328 : i32
      %dma_start3A_977 = tpu.memref_slice %arg5[%dma_start3A_975, %dma_start3A_976] : memref<8x4096xf32, #tpu.memory_space<vmem>> -> memref<8x512xf32, #tpu.memory_space<vmem>>
      %dma_start3A_978 = arith.constant 0 : i32
      %dma_start3A_979 = tpu.memref_slice %arg2[%add3A_874, %dma_start3A_978] : memref<8192x4096xf32, #tpu.memory_space<hbm>> -> memref<8x512xf32, #tpu.memory_space<hbm>>
      %dma_start3A_980 = arith.constant 0 : i32
      %dma_start3A_981 = arith.constant 3328 : i32
      %dma_start3A_982 = tpu.memref_slice %arg5[%dma_start3A_980, %dma_start3A_981] : memref<8x4096xf32, #tpu.memory_space<vmem>> -> memref<8x512xf32, #tpu.memory_space<vmem>>
      %dma_start3A_983 = arith.constant 0 : i32
      %dma_start3A_984 = tpu.memref_slice %arg2[%add3A_874, %dma_start3A_983] : memref<8192x4096xf32, #tpu.memory_space<hbm>> -> memref<8x512xf32, #tpu.memory_space<hbm>>
      tpu.enqueue_dma source(%dma_start3A_984 : memref<8x512xf32, #tpu.memory_space<hbm>>) target(%dma_start3A_982 : memref<8x512xf32, #tpu.memory_space<vmem>>) target_semaphore(%arg8 : memref<!tpu.dma_semaphore, #tpu.memory_space<semaphore_mem>>)
      %dma_start3A_985 = arith.constant 0 : i32
      %dma_start3A_986 = arith.constant 3840 : i32
      %dma_start3A_987 = tpu.memref_slice %arg5[%dma_start3A_985, %dma_start3A_986] : memref<8x4096xf32, #tpu.memory_space<vmem>> -> memref<8x256xf32, #tpu.memory_space<vmem>>
      %dma_start3A_988 = arith.constant 3072 : i32
      %dma_start3A_989 = tpu.memref_slice %arg2[%add3A_874, %dma_start3A_988] : memref<8192x4096xf32, #tpu.memory_space<hbm>> -> memref<8x256xf32, #tpu.memory_space<hbm>>
      %dma_start3A_990 = arith.constant 0 : i32
      %dma_start3A_991 = arith.constant 3840 : i32
      %dma_start3A_992 = tpu.memref_slice %arg5[%dma_start3A_990, %dma_start3A_991] : memref<8x4096xf32, #tpu.memory_space<vmem>> -> memref<8x256xf32, #tpu.memory_space<vmem>>
      %dma_start3A_993 = arith.constant 3072 : i32
      %dma_start3A_994 = tpu.memref_slice %arg2[%add3A_874, %dma_start3A_993] : memref<8192x4096xf32, #tpu.memory_space<hbm>> -> memref<8x256xf32, #tpu.memory_space<hbm>>
      tpu.enqueue_dma source(%dma_start3A_994 : memref<8x256xf32, #tpu.memory_space<hbm>>) target(%dma_start3A_992 : memref<8x256xf32, #tpu.memory_space<vmem>>) target_semaphore(%arg8 : memref<!tpu.dma_semaphore, #tpu.memory_space<semaphore_mem>>)
      %mul3A_995 = arith.constant 8 : i32
      %mul3A_996 = arith.muli %add3A_860, %mul3A_995 : i32
      %add3A_997 = arith.addi %mul3A_2, %mul3A_996 : i32
      %dma_wait3A_998 = arith.constant 0 : i32
      %dma_wait3A_999 = tpu.memref_slice %arg2[%add3A_997, %dma_wait3A_998] : memref<8192x4096xf32, #tpu.memory_space<hbm>> -> memref<8x4096xf32, #tpu.memory_space<hbm>>
      %dma_wait3A_1000 = arith.constant 0 : i32
      %dma_wait3A_1001 = tpu.memref_slice %arg2[%add3A_997, %dma_wait3A_1000] : memref<8192x4096xf32, #tpu.memory_space<hbm>> -> memref<8x4096xf32, #tpu.memory_space<hbm>>
      tpu.wait_dma2 semaphore(%arg9 : memref<!tpu.dma_semaphore, #tpu.memory_space<semaphore_mem>>) src(%dma_wait3A_1001 : memref<8x4096xf32, #tpu.memory_space<hbm>>) dst(%arg6 : memref<8x4096xf32, #tpu.memory_space<vmem>>)
      %mul3A_1002 = arith.constant 8 : i32
      %mul3A_1003 = arith.muli %add3A_860, %mul3A_1002 : i32
      %add3A_1004 = arith.addi %mul3A_2, %mul3A_1003 : i32
      %dma_start3A_1005 = arith.constant 0 : i32
      %dma_start3A_1006 = tpu.memref_slice %arg3[%add3A_1004, %dma_start3A_1005] : memref<8192x4096xf32, #tpu.memory_space<hbm>> -> memref<8x4096xf32, #tpu.memory_space<hbm>>
      %dma_start3A_1007 = arith.constant 0 : i32
      %dma_start3A_1008 = tpu.memref_slice %arg3[%add3A_1004, %dma_start3A_1007] : memref<8192x4096xf32, #tpu.memory_space<hbm>> -> memref<8x4096xf32, #tpu.memory_space<hbm>>
      tpu.enqueue_dma source(%arg6 : memref<8x4096xf32, #tpu.memory_space<vmem>>) target(%dma_start3A_1008 : memref<8x4096xf32, #tpu.memory_space<hbm>>) target_semaphore(%arg12 : memref<!tpu.dma_semaphore, #tpu.memory_space<semaphore_mem>>)
      %add3A_1009 = arith.constant 2 : i32
      %add3A_1010 = arith.addi %add3A_709, %add3A_1009 : i32
      %sub3A_1011 = arith.constant 1 : i32
      %sub3A_1012 = arith.subi %add3A_1010, %sub3A_1011 : i32
      %mul3A_1013 = arith.constant 8 : i32
      %mul3A_1014 = arith.muli %sub3A_1012, %mul3A_1013 : i32
      %add3A_1015 = arith.addi %mul3A_2, %mul3A_1014 : i32
      %dma_wait3A_1016 = arith.constant 0 : i32
      %dma_wait3A_1017 = tpu.memref_slice %arg3[%add3A_1015, %dma_wait3A_1016] : memref<8192x4096xf32, #tpu.memory_space<hbm>> -> memref<8x4096xf32, #tpu.memory_space<hbm>>
      %dma_wait3A_1018 = arith.constant 0 : i32
      %dma_wait3A_1019 = tpu.memref_slice %arg3[%add3A_1015, %dma_wait3A_1018] : memref<8192x4096xf32, #tpu.memory_space<hbm>> -> memref<8x4096xf32, #tpu.memory_space<hbm>>
      tpu.wait_dma2 semaphore(%arg12 : memref<!tpu.dma_semaphore, #tpu.memory_space<semaphore_mem>>) src(%arg6 : memref<8x4096xf32, #tpu.memory_space<vmem>>) dst(%dma_wait3A_1019 : memref<8x4096xf32, #tpu.memory_space<hbm>>)
      %add3A_1020 = arith.constant 2 : i32
      %add3A_1021 = arith.addi %add3A_1010, %add3A_1020 : i32
      %mul3A_1022 = arith.constant 8 : i32
      %mul3A_1023 = arith.muli %add3A_1021, %mul3A_1022 : i32
      %add3A_1024 = arith.addi %mul3A_2, %mul3A_1023 : i32
      %dma_start3A_1025 = arith.constant 0 : i32
      %dma_start3A_1026 = arith.constant 0 : i32
      %dma_start3A_1027 = tpu.memref_slice %arg6[%dma_start3A_1025, %dma_start3A_1026] : memref<8x4096xf32, #tpu.memory_space<vmem>> -> memref<8x256xf32, #tpu.memory_space<vmem>>
      %dma_start3A_1028 = arith.constant 1792 : i32
      %dma_start3A_1029 = tpu.memref_slice %arg2[%add3A_1024, %dma_start3A_1028] : memref<8192x4096xf32, #tpu.memory_space<hbm>> -> memref<8x256xf32, #tpu.memory_space<hbm>>
      %dma_start3A_1030 = arith.constant 0 : i32
      %dma_start3A_1031 = arith.constant 0 : i32
      %dma_start3A_1032 = tpu.memref_slice %arg6[%dma_start3A_1030, %dma_start3A_1031] : memref<8x4096xf32, #tpu.memory_space<vmem>> -> memref<8x256xf32, #tpu.memory_space<vmem>>
      %dma_start3A_1033 = arith.constant 1792 : i32
      %dma_start3A_1034 = tpu.memref_slice %arg2[%add3A_1024, %dma_start3A_1033] : memref<8192x4096xf32, #tpu.memory_space<hbm>> -> memref<8x256xf32, #tpu.memory_space<hbm>>
      tpu.enqueue_dma source(%dma_start3A_1034 : memref<8x256xf32, #tpu.memory_space<hbm>>) target(%dma_start3A_1032 : memref<8x256xf32, #tpu.memory_space<vmem>>) target_semaphore(%arg9 : memref<!tpu.dma_semaphore, #tpu.memory_space<semaphore_mem>>)
      %dma_start3A_1035 = arith.constant 0 : i32
      %dma_start3A_1036 = arith.constant 256 : i32
      %dma_start3A_1037 = tpu.memref_slice %arg6[%dma_start3A_1035, %dma_start3A_1036] : memref<8x4096xf32, #tpu.memory_space<vmem>> -> memref<8x256xf32, #tpu.memory_space<vmem>>
      %dma_start3A_1038 = arith.constant 1024 : i32
      %dma_start3A_1039 = tpu.memref_slice %arg2[%add3A_1024, %dma_start3A_1038] : memref<8192x4096xf32, #tpu.memory_space<hbm>> -> memref<8x256xf32, #tpu.memory_space<hbm>>
      %dma_start3A_1040 = arith.constant 0 : i32
      %dma_start3A_1041 = arith.constant 256 : i32
      %dma_start3A_1042 = tpu.memref_slice %arg6[%dma_start3A_1040, %dma_start3A_1041] : memref<8x4096xf32, #tpu.memory_space<vmem>> -> memref<8x256xf32, #tpu.memory_space<vmem>>
      %dma_start3A_1043 = arith.constant 1024 : i32
      %dma_start3A_1044 = tpu.memref_slice %arg2[%add3A_1024, %dma_start3A_1043] : memref<8192x4096xf32, #tpu.memory_space<hbm>> -> memref<8x256xf32, #tpu.memory_space<hbm>>
      tpu.enqueue_dma source(%dma_start3A_1044 : memref<8x256xf32, #tpu.memory_space<hbm>>) target(%dma_start3A_1042 : memref<8x256xf32, #tpu.memory_space<vmem>>) target_semaphore(%arg9 : memref<!tpu.dma_semaphore, #tpu.memory_space<semaphore_mem>>)
      %dma_start3A_1045 = arith.constant 0 : i32
      %dma_start3A_1046 = arith.constant 512 : i32
      %dma_start3A_1047 = tpu.memref_slice %arg6[%dma_start3A_1045, %dma_start3A_1046] : memref<8x4096xf32, #tpu.memory_space<vmem>> -> memref<8x256xf32, #tpu.memory_space<vmem>>
      %dma_start3A_1048 = arith.constant 512 : i32
      %dma_start3A_1049 = tpu.memref_slice %arg2[%add3A_1024, %dma_start3A_1048] : memref<8192x4096xf32, #tpu.memory_space<hbm>> -> memref<8x256xf32, #tpu.memory_space<hbm>>
      %dma_start3A_1050 = arith.constant 0 : i32
      %dma_start3A_1051 = arith.constant 512 : i32
      %dma_start3A_1052 = tpu.memref_slice %arg6[%dma_start3A_1050, %dma_start3A_1051] : memref<8x4096xf32, #tpu.memory_space<vmem>> -> memref<8x256xf32, #tpu.memory_space<vmem>>
      %dma_start3A_1053 = arith.constant 512 : i32
      %dma_start3A_1054 = tpu.memref_slice %arg2[%add3A_1024, %dma_start3A_1053] : memref<8192x4096xf32, #tpu.memory_space<hbm>> -> memref<8x256xf32, #tpu.memory_space<hbm>>
      tpu.enqueue_dma source(%dma_start3A_1054 : memref<8x256xf32, #tpu.memory_space<hbm>>) target(%dma_start3A_1052 : memref<8x256xf32, #tpu.memory_space<vmem>>) target_semaphore(%arg9 : memref<!tpu.dma_semaphore, #tpu.memory_space<semaphore_mem>>)
      %dma_start3A_1055 = arith.constant 0 : i32
      %dma_start3A_1056 = arith.constant 768 : i32
      %dma_start3A_1057 = tpu.memref_slice %arg6[%dma_start3A_1055, %dma_start3A_1056] : memref<8x4096xf32, #tpu.memory_space<vmem>> -> memref<8x256xf32, #tpu.memory_space<vmem>>
      %dma_start3A_1058 = arith.constant 1280 : i32
      %dma_start3A_1059 = tpu.memref_slice %arg2[%add3A_1024, %dma_start3A_1058] : memref<8192x4096xf32, #tpu.memory_space<hbm>> -> memref<8x256xf32, #tpu.memory_space<hbm>>
      %dma_start3A_1060 = arith.constant 0 : i32
      %dma_start3A_1061 = arith.constant 768 : i32
      %dma_start3A_1062 = tpu.memref_slice %arg6[%dma_start3A_1060, %dma_start3A_1061] : memref<8x4096xf32, #tpu.memory_space<vmem>> -> memref<8x256xf32, #tpu.memory_space<vmem>>
      %dma_start3A_1063 = arith.constant 1280 : i32
      %dma_start3A_1064 = tpu.memref_slice %arg2[%add3A_1024, %dma_start3A_1063] : memref<8192x4096xf32, #tpu.memory_space<hbm>> -> memref<8x256xf32, #tpu.memory_space<hbm>>
      tpu.enqueue_dma source(%dma_start3A_1064 : memref<8x256xf32, #tpu.memory_space<hbm>>) target(%dma_start3A_1062 : memref<8x256xf32, #tpu.memory_space<vmem>>) target_semaphore(%arg9 : memref<!tpu.dma_semaphore, #tpu.memory_space<semaphore_mem>>)
      %dma_start3A_1065 = arith.constant 0 : i32
      %dma_start3A_1066 = arith.constant 1024 : i32
      %dma_start3A_1067 = tpu.memref_slice %arg6[%dma_start3A_1065, %dma_start3A_1066] : memref<8x4096xf32, #tpu.memory_space<vmem>> -> memref<8x256xf32, #tpu.memory_space<vmem>>
      %dma_start3A_1068 = arith.constant 768 : i32
      %dma_start3A_1069 = tpu.memref_slice %arg2[%add3A_1024, %dma_start3A_1068] : memref<8192x4096xf32, #tpu.memory_space<hbm>> -> memref<8x256xf32, #tpu.memory_space<hbm>>
      %dma_start3A_1070 = arith.constant 0 : i32
      %dma_start3A_1071 = arith.constant 1024 : i32
      %dma_start3A_1072 = tpu.memref_slice %arg6[%dma_start3A_1070, %dma_start3A_1071] : memref<8x4096xf32, #tpu.memory_space<vmem>> -> memref<8x256xf32, #tpu.memory_space<vmem>>
      %dma_start3A_1073 = arith.constant 768 : i32
      %dma_start3A_1074 = tpu.memref_slice %arg2[%add3A_1024, %dma_start3A_1073] : memref<8192x4096xf32, #tpu.memory_space<hbm>> -> memref<8x256xf32, #tpu.memory_space<hbm>>
      tpu.enqueue_dma source(%dma_start3A_1074 : memref<8x256xf32, #tpu.memory_space<hbm>>) target(%dma_start3A_1072 : memref<8x256xf32, #tpu.memory_space<vmem>>) target_semaphore(%arg9 : memref<!tpu.dma_semaphore, #tpu.memory_space<semaphore_mem>>)
      %dma_start3A_1075 = arith.constant 0 : i32
      %dma_start3A_1076 = arith.constant 1280 : i32
      %dma_start3A_1077 = tpu.memref_slice %arg6[%dma_start3A_1075, %dma_start3A_1076] : memref<8x4096xf32, #tpu.memory_space<vmem>> -> memref<8x256xf32, #tpu.memory_space<vmem>>
      %dma_start3A_1078 = arith.constant 1536 : i32
      %dma_start3A_1079 = tpu.memref_slice %arg2[%add3A_1024, %dma_start3A_1078] : memref<8192x4096xf32, #tpu.memory_space<hbm>> -> memref<8x256xf32, #tpu.memory_space<hbm>>
      %dma_start3A_1080 = arith.constant 0 : i32
      %dma_start3A_1081 = arith.constant 1280 : i32
      %dma_start3A_1082 = tpu.memref_slice %arg6[%dma_start3A_1080, %dma_start3A_1081] : memref<8x4096xf32, #tpu.memory_space<vmem>> -> memref<8x256xf32, #tpu.memory_space<vmem>>
      %dma_start3A_1083 = arith.constant 1536 : i32
      %dma_start3A_1084 = tpu.memref_slice %arg2[%add3A_1024, %dma_start3A_1083] : memref<8192x4096xf32, #tpu.memory_space<hbm>> -> memref<8x256xf32, #tpu.memory_space<hbm>>
      tpu.enqueue_dma source(%dma_start3A_1084 : memref<8x256xf32, #tpu.memory_space<hbm>>) target(%dma_start3A_1082 : memref<8x256xf32, #tpu.memory_space<vmem>>) target_semaphore(%arg9 : memref<!tpu.dma_semaphore, #tpu.memory_space<semaphore_mem>>)
      %dma_start3A_1085 = arith.constant 0 : i32
      %dma_start3A_1086 = arith.constant 1536 : i32
      %dma_start3A_1087 = tpu.memref_slice %arg6[%dma_start3A_1085, %dma_start3A_1086] : memref<8x4096xf32, #tpu.memory_space<vmem>> -> memref<8x512xf32, #tpu.memory_space<vmem>>
      %dma_start3A_1088 = arith.constant 2560 : i32
      %dma_start3A_1089 = tpu.memref_slice %arg2[%add3A_1024, %dma_start3A_1088] : memref<8192x4096xf32, #tpu.memory_space<hbm>> -> memref<8x512xf32, #tpu.memory_space<hbm>>
      %dma_start3A_1090 = arith.constant 0 : i32
      %dma_start3A_1091 = arith.constant 1536 : i32
      %dma_start3A_1092 = tpu.memref_slice %arg6[%dma_start3A_1090, %dma_start3A_1091] : memref<8x4096xf32, #tpu.memory_space<vmem>> -> memref<8x512xf32, #tpu.memory_space<vmem>>
      %dma_start3A_1093 = arith.constant 2560 : i32
      %dma_start3A_1094 = tpu.memref_slice %arg2[%add3A_1024, %dma_start3A_1093] : memref<8192x4096xf32, #tpu.memory_space<hbm>> -> memref<8x512xf32, #tpu.memory_space<hbm>>
      tpu.enqueue_dma source(%dma_start3A_1094 : memref<8x512xf32, #tpu.memory_space<hbm>>) target(%dma_start3A_1092 : memref<8x512xf32, #tpu.memory_space<vmem>>) target_semaphore(%arg9 : memref<!tpu.dma_semaphore, #tpu.memory_space<semaphore_mem>>)
      %dma_start3A_1095 = arith.constant 0 : i32
      %dma_start3A_1096 = arith.constant 2048 : i32
      %dma_start3A_1097 = tpu.memref_slice %arg6[%dma_start3A_1095, %dma_start3A_1096] : memref<8x4096xf32, #tpu.memory_space<vmem>> -> memref<8x256xf32, #tpu.memory_space<vmem>>
      %dma_start3A_1098 = arith.constant 3840 : i32
      %dma_start3A_1099 = tpu.memref_slice %arg2[%add3A_1024, %dma_start3A_1098] : memref<8192x4096xf32, #tpu.memory_space<hbm>> -> memref<8x256xf32, #tpu.memory_space<hbm>>
      %dma_start3A_1100 = arith.constant 0 : i32
      %dma_start3A_1101 = arith.constant 2048 : i32
      %dma_start3A_1102 = tpu.memref_slice %arg6[%dma_start3A_1100, %dma_start3A_1101] : memref<8x4096xf32, #tpu.memory_space<vmem>> -> memref<8x256xf32, #tpu.memory_space<vmem>>
      %dma_start3A_1103 = arith.constant 3840 : i32
      %dma_start3A_1104 = tpu.memref_slice %arg2[%add3A_1024, %dma_start3A_1103] : memref<8192x4096xf32, #tpu.memory_space<hbm>> -> memref<8x256xf32, #tpu.memory_space<hbm>>
      tpu.enqueue_dma source(%dma_start3A_1104 : memref<8x256xf32, #tpu.memory_space<hbm>>) target(%dma_start3A_1102 : memref<8x256xf32, #tpu.memory_space<vmem>>) target_semaphore(%arg9 : memref<!tpu.dma_semaphore, #tpu.memory_space<semaphore_mem>>)
      %dma_start3A_1105 = arith.constant 0 : i32
      %dma_start3A_1106 = arith.constant 2304 : i32
      %dma_start3A_1107 = tpu.memref_slice %arg6[%dma_start3A_1105, %dma_start3A_1106] : memref<8x4096xf32, #tpu.memory_space<vmem>> -> memref<8x512xf32, #tpu.memory_space<vmem>>
      %dma_start3A_1108 = arith.constant 2048 : i32
      %dma_start3A_1109 = tpu.memref_slice %arg2[%add3A_1024, %dma_start3A_1108] : memref<8192x4096xf32, #tpu.memory_space<hbm>> -> memref<8x512xf32, #tpu.memory_space<hbm>>
      %dma_start3A_1110 = arith.constant 0 : i32
      %dma_start3A_1111 = arith.constant 2304 : i32
      %dma_start3A_1112 = tpu.memref_slice %arg6[%dma_start3A_1110, %dma_start3A_1111] : memref<8x4096xf32, #tpu.memory_space<vmem>> -> memref<8x512xf32, #tpu.memory_space<vmem>>
      %dma_start3A_1113 = arith.constant 2048 : i32
      %dma_start3A_1114 = tpu.memref_slice %arg2[%add3A_1024, %dma_start3A_1113] : memref<8192x4096xf32, #tpu.memory_space<hbm>> -> memref<8x512xf32, #tpu.memory_space<hbm>>
      tpu.enqueue_dma source(%dma_start3A_1114 : memref<8x512xf32, #tpu.memory_space<hbm>>) target(%dma_start3A_1112 : memref<8x512xf32, #tpu.memory_space<vmem>>) target_semaphore(%arg9 : memref<!tpu.dma_semaphore, #tpu.memory_space<semaphore_mem>>)
      %dma_start3A_1115 = arith.constant 0 : i32
      %dma_start3A_1116 = arith.constant 2816 : i32
      %dma_start3A_1117 = tpu.memref_slice %arg6[%dma_start3A_1115, %dma_start3A_1116] : memref<8x4096xf32, #tpu.memory_space<vmem>> -> memref<8x512xf32, #tpu.memory_space<vmem>>
      %dma_start3A_1118 = arith.constant 3328 : i32
      %dma_start3A_1119 = tpu.memref_slice %arg2[%add3A_1024, %dma_start3A_1118] : memref<8192x4096xf32, #tpu.memory_space<hbm>> -> memref<8x512xf32, #tpu.memory_space<hbm>>
      %dma_start3A_1120 = arith.constant 0 : i32
      %dma_start3A_1121 = arith.constant 2816 : i32
      %dma_start3A_1122 = tpu.memref_slice %arg6[%dma_start3A_1120, %dma_start3A_1121] : memref<8x4096xf32, #tpu.memory_space<vmem>> -> memref<8x512xf32, #tpu.memory_space<vmem>>
      %dma_start3A_1123 = arith.constant 3328 : i32
      %dma_start3A_1124 = tpu.memref_slice %arg2[%add3A_1024, %dma_start3A_1123] : memref<8192x4096xf32, #tpu.memory_space<hbm>> -> memref<8x512xf32, #tpu.memory_space<hbm>>
      tpu.enqueue_dma source(%dma_start3A_1124 : memref<8x512xf32, #tpu.memory_space<hbm>>) target(%dma_start3A_1122 : memref<8x512xf32, #tpu.memory_space<vmem>>) target_semaphore(%arg9 : memref<!tpu.dma_semaphore, #tpu.memory_space<semaphore_mem>>)
      %dma_start3A_1125 = arith.constant 0 : i32
      %dma_start3A_1126 = arith.constant 3328 : i32
      %dma_start3A_1127 = tpu.memref_slice %arg6[%dma_start3A_1125, %dma_start3A_1126] : memref<8x4096xf32, #tpu.memory_space<vmem>> -> memref<8x512xf32, #tpu.memory_space<vmem>>
      %dma_start3A_1128 = arith.constant 0 : i32
      %dma_start3A_1129 = tpu.memref_slice %arg2[%add3A_1024, %dma_start3A_1128] : memref<8192x4096xf32, #tpu.memory_space<hbm>> -> memref<8x512xf32, #tpu.memory_space<hbm>>
      %dma_start3A_1130 = arith.constant 0 : i32
      %dma_start3A_1131 = arith.constant 3328 : i32
      %dma_start3A_1132 = tpu.memref_slice %arg6[%dma_start3A_1130, %dma_start3A_1131] : memref<8x4096xf32, #tpu.memory_space<vmem>> -> memref<8x512xf32, #tpu.memory_space<vmem>>
      %dma_start3A_1133 = arith.constant 0 : i32
      %dma_start3A_1134 = tpu.memref_slice %arg2[%add3A_1024, %dma_start3A_1133] : memref<8192x4096xf32, #tpu.memory_space<hbm>> -> memref<8x512xf32, #tpu.memory_space<hbm>>
      tpu.enqueue_dma source(%dma_start3A_1134 : memref<8x512xf32, #tpu.memory_space<hbm>>) target(%dma_start3A_1132 : memref<8x512xf32, #tpu.memory_space<vmem>>) target_semaphore(%arg9 : memref<!tpu.dma_semaphore, #tpu.memory_space<semaphore_mem>>)
      %dma_start3A_1135 = arith.constant 0 : i32
      %dma_start3A_1136 = arith.constant 3840 : i32
      %dma_start3A_1137 = tpu.memref_slice %arg6[%dma_start3A_1135, %dma_start3A_1136] : memref<8x4096xf32, #tpu.memory_space<vmem>> -> memref<8x256xf32, #tpu.memory_space<vmem>>
      %dma_start3A_1138 = arith.constant 3072 : i32
      %dma_start3A_1139 = tpu.memref_slice %arg2[%add3A_1024, %dma_start3A_1138] : memref<8192x4096xf32, #tpu.memory_space<hbm>> -> memref<8x256xf32, #tpu.memory_space<hbm>>
      %dma_start3A_1140 = arith.constant 0 : i32
      %dma_start3A_1141 = arith.constant 3840 : i32
      %dma_start3A_1142 = tpu.memref_slice %arg6[%dma_start3A_1140, %dma_start3A_1141] : memref<8x4096xf32, #tpu.memory_space<vmem>> -> memref<8x256xf32, #tpu.memory_space<vmem>>
      %dma_start3A_1143 = arith.constant 3072 : i32
      %dma_start3A_1144 = tpu.memref_slice %arg2[%add3A_1024, %dma_start3A_1143] : memref<8192x4096xf32, #tpu.memory_space<hbm>> -> memref<8x256xf32, #tpu.memory_space<hbm>>
      tpu.enqueue_dma source(%dma_start3A_1144 : memref<8x256xf32, #tpu.memory_space<hbm>>) target(%dma_start3A_1142 : memref<8x256xf32, #tpu.memory_space<vmem>>) target_semaphore(%arg9 : memref<!tpu.dma_semaphore, #tpu.memory_space<semaphore_mem>>)
      %mul3A_1145 = arith.constant 8 : i32
      %mul3A_1146 = arith.muli %add3A_1010, %mul3A_1145 : i32
      %add3A_1147 = arith.addi %mul3A_2, %mul3A_1146 : i32
      %dma_wait3A_1148 = arith.constant 0 : i32
      %dma_wait3A_1149 = tpu.memref_slice %arg2[%add3A_1147, %dma_wait3A_1148] : memref<8192x4096xf32, #tpu.memory_space<hbm>> -> memref<8x4096xf32, #tpu.memory_space<hbm>>
      %dma_wait3A_1150 = arith.constant 0 : i32
      %dma_wait3A_1151 = tpu.memref_slice %arg2[%add3A_1147, %dma_wait3A_1150] : memref<8192x4096xf32, #tpu.memory_space<hbm>> -> memref<8x4096xf32, #tpu.memory_space<hbm>>
      tpu.wait_dma2 semaphore(%arg7 : memref<!tpu.dma_semaphore, #tpu.memory_space<semaphore_mem>>) src(%dma_wait3A_1151 : memref<8x4096xf32, #tpu.memory_space<hbm>>) dst(%arg4 : memref<8x4096xf32, #tpu.memory_space<vmem>>)
      %mul3A_1152 = arith.constant 8 : i32
      %mul3A_1153 = arith.muli %add3A_1010, %mul3A_1152 : i32
      %add3A_1154 = arith.addi %mul3A_2, %mul3A_1153 : i32
      %dma_start3A_1155 = arith.constant 0 : i32
      %dma_start3A_1156 = tpu.memref_slice %arg3[%add3A_1154, %dma_start3A_1155] : memref<8192x4096xf32, #tpu.memory_space<hbm>> -> memref<8x4096xf32, #tpu.memory_space<hbm>>
      %dma_start3A_1157 = arith.constant 0 : i32
      %dma_start3A_1158 = tpu.memref_slice %arg3[%add3A_1154, %dma_start3A_1157] : memref<8192x4096xf32, #tpu.memory_space<hbm>> -> memref<8x4096xf32, #tpu.memory_space<hbm>>
      tpu.enqueue_dma source(%arg4 : memref<8x4096xf32, #tpu.memory_space<vmem>>) target(%dma_start3A_1158 : memref<8x4096xf32, #tpu.memory_space<hbm>>) target_semaphore(%arg10 : memref<!tpu.dma_semaphore, #tpu.memory_space<semaphore_mem>>)
    }
    %scan3A_382 = arith.constant 9 : i32
    %add3A_383 = arith.constant 216 : i32
    %add3A_384 = arith.addi %mul3A_2, %add3A_383 : i32
    %dma_wait3A_385 = arith.constant 0 : i32
    %dma_wait3A_386 = tpu.memref_slice %arg3[%add3A_384, %dma_wait3A_385] : memref<8192x4096xf32, #tpu.memory_space<hbm>> -> memref<8x4096xf32, #tpu.memory_space<hbm>>
    %dma_wait3A_387 = arith.constant 0 : i32
    %dma_wait3A_388 = tpu.memref_slice %arg3[%add3A_384, %dma_wait3A_387] : memref<8192x4096xf32, #tpu.memory_space<hbm>> -> memref<8x4096xf32, #tpu.memory_space<hbm>>
    tpu.wait_dma2 semaphore(%arg10 : memref<!tpu.dma_semaphore, #tpu.memory_space<semaphore_mem>>) src(%arg4 : memref<8x4096xf32, #tpu.memory_space<vmem>>) dst(%dma_wait3A_388 : memref<8x4096xf32, #tpu.memory_space<hbm>>)
    %add3A_389 = arith.constant 240 : i32
    %add3A_390 = arith.addi %mul3A_2, %add3A_389 : i32
    %dma_start3A_391 = arith.constant 0 : i32
    %dma_start3A_392 = arith.constant 0 : i32
    %dma_start3A_393 = tpu.memref_slice %arg4[%dma_start3A_391, %dma_start3A_392] : memref<8x4096xf32, #tpu.memory_space<vmem>> -> memref<8x256xf32, #tpu.memory_space<vmem>>
    %dma_start3A_394 = arith.constant 1792 : i32
    %dma_start3A_395 = tpu.memref_slice %arg2[%add3A_390, %dma_start3A_394] : memref<8192x4096xf32, #tpu.memory_space<hbm>> -> memref<8x256xf32, #tpu.memory_space<hbm>>
    %dma_start3A_396 = arith.constant 0 : i32
    %dma_start3A_397 = arith.constant 0 : i32
    %dma_start3A_398 = tpu.memref_slice %arg4[%dma_start3A_396, %dma_start3A_397] : memref<8x4096xf32, #tpu.memory_space<vmem>> -> memref<8x256xf32, #tpu.memory_space<vmem>>
    %dma_start3A_399 = arith.constant 1792 : i32
    %dma_start3A_400 = tpu.memref_slice %arg2[%add3A_390, %dma_start3A_399] : memref<8192x4096xf32, #tpu.memory_space<hbm>> -> memref<8x256xf32, #tpu.memory_space<hbm>>
    tpu.enqueue_dma source(%dma_start3A_400 : memref<8x256xf32, #tpu.memory_space<hbm>>) target(%dma_start3A_398 : memref<8x256xf32, #tpu.memory_space<vmem>>) target_semaphore(%arg7 : memref<!tpu.dma_semaphore, #tpu.memory_space<semaphore_mem>>)
    %dma_start3A_401 = arith.constant 0 : i32
    %dma_start3A_402 = arith.constant 256 : i32
    %dma_start3A_403 = tpu.memref_slice %arg4[%dma_start3A_401, %dma_start3A_402] : memref<8x4096xf32, #tpu.memory_space<vmem>> -> memref<8x256xf32, #tpu.memory_space<vmem>>
    %dma_start3A_404 = arith.constant 1024 : i32
    %dma_start3A_405 = tpu.memref_slice %arg2[%add3A_390, %dma_start3A_404] : memref<8192x4096xf32, #tpu.memory_space<hbm>> -> memref<8x256xf32, #tpu.memory_space<hbm>>
    %dma_start3A_406 = arith.constant 0 : i32
    %dma_start3A_407 = arith.constant 256 : i32
    %dma_start3A_408 = tpu.memref_slice %arg4[%dma_start3A_406, %dma_start3A_407] : memref<8x4096xf32, #tpu.memory_space<vmem>> -> memref<8x256xf32, #tpu.memory_space<vmem>>
    %dma_start3A_409 = arith.constant 1024 : i32
    %dma_start3A_410 = tpu.memref_slice %arg2[%add3A_390, %dma_start3A_409] : memref<8192x4096xf32, #tpu.memory_space<hbm>> -> memref<8x256xf32, #tpu.memory_space<hbm>>
    tpu.enqueue_dma source(%dma_start3A_410 : memref<8x256xf32, #tpu.memory_space<hbm>>) target(%dma_start3A_408 : memref<8x256xf32, #tpu.memory_space<vmem>>) target_semaphore(%arg7 : memref<!tpu.dma_semaphore, #tpu.memory_space<semaphore_mem>>)
    %dma_start3A_411 = arith.constant 0 : i32
    %dma_start3A_412 = arith.constant 512 : i32
    %dma_start3A_413 = tpu.memref_slice %arg4[%dma_start3A_411, %dma_start3A_412] : memref<8x4096xf32, #tpu.memory_space<vmem>> -> memref<8x256xf32, #tpu.memory_space<vmem>>
    %dma_start3A_414 = arith.constant 512 : i32
    %dma_start3A_415 = tpu.memref_slice %arg2[%add3A_390, %dma_start3A_414] : memref<8192x4096xf32, #tpu.memory_space<hbm>> -> memref<8x256xf32, #tpu.memory_space<hbm>>
    %dma_start3A_416 = arith.constant 0 : i32
    %dma_start3A_417 = arith.constant 512 : i32
    %dma_start3A_418 = tpu.memref_slice %arg4[%dma_start3A_416, %dma_start3A_417] : memref<8x4096xf32, #tpu.memory_space<vmem>> -> memref<8x256xf32, #tpu.memory_space<vmem>>
    %dma_start3A_419 = arith.constant 512 : i32
    %dma_start3A_420 = tpu.memref_slice %arg2[%add3A_390, %dma_start3A_419] : memref<8192x4096xf32, #tpu.memory_space<hbm>> -> memref<8x256xf32, #tpu.memory_space<hbm>>
    tpu.enqueue_dma source(%dma_start3A_420 : memref<8x256xf32, #tpu.memory_space<hbm>>) target(%dma_start3A_418 : memref<8x256xf32, #tpu.memory_space<vmem>>) target_semaphore(%arg7 : memref<!tpu.dma_semaphore, #tpu.memory_space<semaphore_mem>>)
    %dma_start3A_421 = arith.constant 0 : i32
    %dma_start3A_422 = arith.constant 768 : i32
    %dma_start3A_423 = tpu.memref_slice %arg4[%dma_start3A_421, %dma_start3A_422] : memref<8x4096xf32, #tpu.memory_space<vmem>> -> memref<8x256xf32, #tpu.memory_space<vmem>>
    %dma_start3A_424 = arith.constant 1280 : i32
    %dma_start3A_425 = tpu.memref_slice %arg2[%add3A_390, %dma_start3A_424] : memref<8192x4096xf32, #tpu.memory_space<hbm>> -> memref<8x256xf32, #tpu.memory_space<hbm>>
    %dma_start3A_426 = arith.constant 0 : i32
    %dma_start3A_427 = arith.constant 768 : i32
    %dma_start3A_428 = tpu.memref_slice %arg4[%dma_start3A_426, %dma_start3A_427] : memref<8x4096xf32, #tpu.memory_space<vmem>> -> memref<8x256xf32, #tpu.memory_space<vmem>>
    %dma_start3A_429 = arith.constant 1280 : i32
    %dma_start3A_430 = tpu.memref_slice %arg2[%add3A_390, %dma_start3A_429] : memref<8192x4096xf32, #tpu.memory_space<hbm>> -> memref<8x256xf32, #tpu.memory_space<hbm>>
    tpu.enqueue_dma source(%dma_start3A_430 : memref<8x256xf32, #tpu.memory_space<hbm>>) target(%dma_start3A_428 : memref<8x256xf32, #tpu.memory_space<vmem>>) target_semaphore(%arg7 : memref<!tpu.dma_semaphore, #tpu.memory_space<semaphore_mem>>)
    %dma_start3A_431 = arith.constant 0 : i32
    %dma_start3A_432 = arith.constant 1024 : i32
    %dma_start3A_433 = tpu.memref_slice %arg4[%dma_start3A_431, %dma_start3A_432] : memref<8x4096xf32, #tpu.memory_space<vmem>> -> memref<8x256xf32, #tpu.memory_space<vmem>>
    %dma_start3A_434 = arith.constant 768 : i32
    %dma_start3A_435 = tpu.memref_slice %arg2[%add3A_390, %dma_start3A_434] : memref<8192x4096xf32, #tpu.memory_space<hbm>> -> memref<8x256xf32, #tpu.memory_space<hbm>>
    %dma_start3A_436 = arith.constant 0 : i32
    %dma_start3A_437 = arith.constant 1024 : i32
    %dma_start3A_438 = tpu.memref_slice %arg4[%dma_start3A_436, %dma_start3A_437] : memref<8x4096xf32, #tpu.memory_space<vmem>> -> memref<8x256xf32, #tpu.memory_space<vmem>>
    %dma_start3A_439 = arith.constant 768 : i32
    %dma_start3A_440 = tpu.memref_slice %arg2[%add3A_390, %dma_start3A_439] : memref<8192x4096xf32, #tpu.memory_space<hbm>> -> memref<8x256xf32, #tpu.memory_space<hbm>>
    tpu.enqueue_dma source(%dma_start3A_440 : memref<8x256xf32, #tpu.memory_space<hbm>>) target(%dma_start3A_438 : memref<8x256xf32, #tpu.memory_space<vmem>>) target_semaphore(%arg7 : memref<!tpu.dma_semaphore, #tpu.memory_space<semaphore_mem>>)
    %dma_start3A_441 = arith.constant 0 : i32
    %dma_start3A_442 = arith.constant 1280 : i32
    %dma_start3A_443 = tpu.memref_slice %arg4[%dma_start3A_441, %dma_start3A_442] : memref<8x4096xf32, #tpu.memory_space<vmem>> -> memref<8x256xf32, #tpu.memory_space<vmem>>
    %dma_start3A_444 = arith.constant 1536 : i32
    %dma_start3A_445 = tpu.memref_slice %arg2[%add3A_390, %dma_start3A_444] : memref<8192x4096xf32, #tpu.memory_space<hbm>> -> memref<8x256xf32, #tpu.memory_space<hbm>>
    %dma_start3A_446 = arith.constant 0 : i32
    %dma_start3A_447 = arith.constant 1280 : i32
    %dma_start3A_448 = tpu.memref_slice %arg4[%dma_start3A_446, %dma_start3A_447] : memref<8x4096xf32, #tpu.memory_space<vmem>> -> memref<8x256xf32, #tpu.memory_space<vmem>>
    %dma_start3A_449 = arith.constant 1536 : i32
    %dma_start3A_450 = tpu.memref_slice %arg2[%add3A_390, %dma_start3A_449] : memref<8192x4096xf32, #tpu.memory_space<hbm>> -> memref<8x256xf32, #tpu.memory_space<hbm>>
    tpu.enqueue_dma source(%dma_start3A_450 : memref<8x256xf32, #tpu.memory_space<hbm>>) target(%dma_start3A_448 : memref<8x256xf32, #tpu.memory_space<vmem>>) target_semaphore(%arg7 : memref<!tpu.dma_semaphore, #tpu.memory_space<semaphore_mem>>)
    %dma_start3A_451 = arith.constant 0 : i32
    %dma_start3A_452 = arith.constant 1536 : i32
    %dma_start3A_453 = tpu.memref_slice %arg4[%dma_start3A_451, %dma_start3A_452] : memref<8x4096xf32, #tpu.memory_space<vmem>> -> memref<8x512xf32, #tpu.memory_space<vmem>>
    %dma_start3A_454 = arith.constant 2560 : i32
    %dma_start3A_455 = tpu.memref_slice %arg2[%add3A_390, %dma_start3A_454] : memref<8192x4096xf32, #tpu.memory_space<hbm>> -> memref<8x512xf32, #tpu.memory_space<hbm>>
    %dma_start3A_456 = arith.constant 0 : i32
    %dma_start3A_457 = arith.constant 1536 : i32
    %dma_start3A_458 = tpu.memref_slice %arg4[%dma_start3A_456, %dma_start3A_457] : memref<8x4096xf32, #tpu.memory_space<vmem>> -> memref<8x512xf32, #tpu.memory_space<vmem>>
    %dma_start3A_459 = arith.constant 2560 : i32
    %dma_start3A_460 = tpu.memref_slice %arg2[%add3A_390, %dma_start3A_459] : memref<8192x4096xf32, #tpu.memory_space<hbm>> -> memref<8x512xf32, #tpu.memory_space<hbm>>
    tpu.enqueue_dma source(%dma_start3A_460 : memref<8x512xf32, #tpu.memory_space<hbm>>) target(%dma_start3A_458 : memref<8x512xf32, #tpu.memory_space<vmem>>) target_semaphore(%arg7 : memref<!tpu.dma_semaphore, #tpu.memory_space<semaphore_mem>>)
    %dma_start3A_461 = arith.constant 0 : i32
    %dma_start3A_462 = arith.constant 2048 : i32
    %dma_start3A_463 = tpu.memref_slice %arg4[%dma_start3A_461, %dma_start3A_462] : memref<8x4096xf32, #tpu.memory_space<vmem>> -> memref<8x256xf32, #tpu.memory_space<vmem>>
    %dma_start3A_464 = arith.constant 3840 : i32
    %dma_start3A_465 = tpu.memref_slice %arg2[%add3A_390, %dma_start3A_464] : memref<8192x4096xf32, #tpu.memory_space<hbm>> -> memref<8x256xf32, #tpu.memory_space<hbm>>
    %dma_start3A_466 = arith.constant 0 : i32
    %dma_start3A_467 = arith.constant 2048 : i32
    %dma_start3A_468 = tpu.memref_slice %arg4[%dma_start3A_466, %dma_start3A_467] : memref<8x4096xf32, #tpu.memory_space<vmem>> -> memref<8x256xf32, #tpu.memory_space<vmem>>
    %dma_start3A_469 = arith.constant 3840 : i32
    %dma_start3A_470 = tpu.memref_slice %arg2[%add3A_390, %dma_start3A_469] : memref<8192x4096xf32, #tpu.memory_space<hbm>> -> memref<8x256xf32, #tpu.memory_space<hbm>>
    tpu.enqueue_dma source(%dma_start3A_470 : memref<8x256xf32, #tpu.memory_space<hbm>>) target(%dma_start3A_468 : memref<8x256xf32, #tpu.memory_space<vmem>>) target_semaphore(%arg7 : memref<!tpu.dma_semaphore, #tpu.memory_space<semaphore_mem>>)
    %dma_start3A_471 = arith.constant 0 : i32
    %dma_start3A_472 = arith.constant 2304 : i32
    %dma_start3A_473 = tpu.memref_slice %arg4[%dma_start3A_471, %dma_start3A_472] : memref<8x4096xf32, #tpu.memory_space<vmem>> -> memref<8x512xf32, #tpu.memory_space<vmem>>
    %dma_start3A_474 = arith.constant 2048 : i32
    %dma_start3A_475 = tpu.memref_slice %arg2[%add3A_390, %dma_start3A_474] : memref<8192x4096xf32, #tpu.memory_space<hbm>> -> memref<8x512xf32, #tpu.memory_space<hbm>>
    %dma_start3A_476 = arith.constant 0 : i32
    %dma_start3A_477 = arith.constant 2304 : i32
    %dma_start3A_478 = tpu.memref_slice %arg4[%dma_start3A_476, %dma_start3A_477] : memref<8x4096xf32, #tpu.memory_space<vmem>> -> memref<8x512xf32, #tpu.memory_space<vmem>>
    %dma_start3A_479 = arith.constant 2048 : i32
    %dma_start3A_480 = tpu.memref_slice %arg2[%add3A_390, %dma_start3A_479] : memref<8192x4096xf32, #tpu.memory_space<hbm>> -> memref<8x512xf32, #tpu.memory_space<hbm>>
    tpu.enqueue_dma source(%dma_start3A_480 : memref<8x512xf32, #tpu.memory_space<hbm>>) target(%dma_start3A_478 : memref<8x512xf32, #tpu.memory_space<vmem>>) target_semaphore(%arg7 : memref<!tpu.dma_semaphore, #tpu.memory_space<semaphore_mem>>)
    %dma_start3A_481 = arith.constant 0 : i32
    %dma_start3A_482 = arith.constant 2816 : i32
    %dma_start3A_483 = tpu.memref_slice %arg4[%dma_start3A_481, %dma_start3A_482] : memref<8x4096xf32, #tpu.memory_space<vmem>> -> memref<8x512xf32, #tpu.memory_space<vmem>>
    %dma_start3A_484 = arith.constant 3328 : i32
    %dma_start3A_485 = tpu.memref_slice %arg2[%add3A_390, %dma_start3A_484] : memref<8192x4096xf32, #tpu.memory_space<hbm>> -> memref<8x512xf32, #tpu.memory_space<hbm>>
    %dma_start3A_486 = arith.constant 0 : i32
    %dma_start3A_487 = arith.constant 2816 : i32
    %dma_start3A_488 = tpu.memref_slice %arg4[%dma_start3A_486, %dma_start3A_487] : memref<8x4096xf32, #tpu.memory_space<vmem>> -> memref<8x512xf32, #tpu.memory_space<vmem>>
    %dma_start3A_489 = arith.constant 3328 : i32
    %dma_start3A_490 = tpu.memref_slice %arg2[%add3A_390, %dma_start3A_489] : memref<8192x4096xf32, #tpu.memory_space<hbm>> -> memref<8x512xf32, #tpu.memory_space<hbm>>
    tpu.enqueue_dma source(%dma_start3A_490 : memref<8x512xf32, #tpu.memory_space<hbm>>) target(%dma_start3A_488 : memref<8x512xf32, #tpu.memory_space<vmem>>) target_semaphore(%arg7 : memref<!tpu.dma_semaphore, #tpu.memory_space<semaphore_mem>>)
    %dma_start3A_491 = arith.constant 0 : i32
    %dma_start3A_492 = arith.constant 3328 : i32
    %dma_start3A_493 = tpu.memref_slice %arg4[%dma_start3A_491, %dma_start3A_492] : memref<8x4096xf32, #tpu.memory_space<vmem>> -> memref<8x512xf32, #tpu.memory_space<vmem>>
    %dma_start3A_494 = arith.constant 0 : i32
    %dma_start3A_495 = tpu.memref_slice %arg2[%add3A_390, %dma_start3A_494] : memref<8192x4096xf32, #tpu.memory_space<hbm>> -> memref<8x512xf32, #tpu.memory_space<hbm>>
    %dma_start3A_496 = arith.constant 0 : i32
    %dma_start3A_497 = arith.constant 3328 : i32
    %dma_start3A_498 = tpu.memref_slice %arg4[%dma_start3A_496, %dma_start3A_497] : memref<8x4096xf32, #tpu.memory_space<vmem>> -> memref<8x512xf32, #tpu.memory_space<vmem>>
    %dma_start3A_499 = arith.constant 0 : i32
    %dma_start3A_500 = tpu.memref_slice %arg2[%add3A_390, %dma_start3A_499] : memref<8192x4096xf32, #tpu.memory_space<hbm>> -> memref<8x512xf32, #tpu.memory_space<hbm>>
    tpu.enqueue_dma source(%dma_start3A_500 : memref<8x512xf32, #tpu.memory_space<hbm>>) target(%dma_start3A_498 : memref<8x512xf32, #tpu.memory_space<vmem>>) target_semaphore(%arg7 : memref<!tpu.dma_semaphore, #tpu.memory_space<semaphore_mem>>)
    %dma_start3A_501 = arith.constant 0 : i32
    %dma_start3A_502 = arith.constant 3840 : i32
    %dma_start3A_503 = tpu.memref_slice %arg4[%dma_start3A_501, %dma_start3A_502] : memref<8x4096xf32, #tpu.memory_space<vmem>> -> memref<8x256xf32, #tpu.memory_space<vmem>>
    %dma_start3A_504 = arith.constant 3072 : i32
    %dma_start3A_505 = tpu.memref_slice %arg2[%add3A_390, %dma_start3A_504] : memref<8192x4096xf32, #tpu.memory_space<hbm>> -> memref<8x256xf32, #tpu.memory_space<hbm>>
    %dma_start3A_506 = arith.constant 0 : i32
    %dma_start3A_507 = arith.constant 3840 : i32
    %dma_start3A_508 = tpu.memref_slice %arg4[%dma_start3A_506, %dma_start3A_507] : memref<8x4096xf32, #tpu.memory_space<vmem>> -> memref<8x256xf32, #tpu.memory_space<vmem>>
    %dma_start3A_509 = arith.constant 3072 : i32
    %dma_start3A_510 = tpu.memref_slice %arg2[%add3A_390, %dma_start3A_509] : memref<8192x4096xf32, #tpu.memory_space<hbm>> -> memref<8x256xf32, #tpu.memory_space<hbm>>
    tpu.enqueue_dma source(%dma_start3A_510 : memref<8x256xf32, #tpu.memory_space<hbm>>) target(%dma_start3A_508 : memref<8x256xf32, #tpu.memory_space<vmem>>) target_semaphore(%arg7 : memref<!tpu.dma_semaphore, #tpu.memory_space<semaphore_mem>>)
    %add3A_511 = arith.constant 224 : i32
    %add3A_512 = arith.addi %mul3A_2, %add3A_511 : i32
    %dma_wait3A_513 = arith.constant 0 : i32
    %dma_wait3A_514 = tpu.memref_slice %arg2[%add3A_512, %dma_wait3A_513] : memref<8192x4096xf32, #tpu.memory_space<hbm>> -> memref<8x4096xf32, #tpu.memory_space<hbm>>
    %dma_wait3A_515 = arith.constant 0 : i32
    %dma_wait3A_516 = tpu.memref_slice %arg2[%add3A_512, %dma_wait3A_515] : memref<8192x4096xf32, #tpu.memory_space<hbm>> -> memref<8x4096xf32, #tpu.memory_space<hbm>>
    tpu.wait_dma2 semaphore(%arg8 : memref<!tpu.dma_semaphore, #tpu.memory_space<semaphore_mem>>) src(%dma_wait3A_516 : memref<8x4096xf32, #tpu.memory_space<hbm>>) dst(%arg5 : memref<8x4096xf32, #tpu.memory_space<vmem>>)
    %add3A_517 = arith.constant 224 : i32
    %add3A_518 = arith.addi %mul3A_2, %add3A_517 : i32
    %dma_start3A_519 = arith.constant 0 : i32
    %dma_start3A_520 = tpu.memref_slice %arg3[%add3A_518, %dma_start3A_519] : memref<8192x4096xf32, #tpu.memory_space<hbm>> -> memref<8x4096xf32, #tpu.memory_space<hbm>>
    %dma_start3A_521 = arith.constant 0 : i32
    %dma_start3A_522 = tpu.memref_slice %arg3[%add3A_518, %dma_start3A_521] : memref<8192x4096xf32, #tpu.memory_space<hbm>> -> memref<8x4096xf32, #tpu.memory_space<hbm>>
    tpu.enqueue_dma source(%arg5 : memref<8x4096xf32, #tpu.memory_space<vmem>>) target(%dma_start3A_522 : memref<8x4096xf32, #tpu.memory_space<hbm>>) target_semaphore(%arg11 : memref<!tpu.dma_semaphore, #tpu.memory_space<semaphore_mem>>)
    %add3A_523 = arith.constant 224 : i32
    %add3A_524 = arith.addi %mul3A_2, %add3A_523 : i32
    %dma_wait3A_525 = arith.constant 0 : i32
    %dma_wait3A_526 = tpu.memref_slice %arg3[%add3A_524, %dma_wait3A_525] : memref<8192x4096xf32, #tpu.memory_space<hbm>> -> memref<8x4096xf32, #tpu.memory_space<hbm>>
    %dma_wait3A_527 = arith.constant 0 : i32
    %dma_wait3A_528 = tpu.memref_slice %arg3[%add3A_524, %dma_wait3A_527] : memref<8192x4096xf32, #tpu.memory_space<hbm>> -> memref<8x4096xf32, #tpu.memory_space<hbm>>
    tpu.wait_dma2 semaphore(%arg11 : memref<!tpu.dma_semaphore, #tpu.memory_space<semaphore_mem>>) src(%arg5 : memref<8x4096xf32, #tpu.memory_space<vmem>>) dst(%dma_wait3A_528 : memref<8x4096xf32, #tpu.memory_space<hbm>>)
    %add3A_529 = arith.constant 248 : i32
    %add3A_530 = arith.addi %mul3A_2, %add3A_529 : i32
    %dma_start3A_531 = arith.constant 0 : i32
    %dma_start3A_532 = arith.constant 0 : i32
    %dma_start3A_533 = tpu.memref_slice %arg5[%dma_start3A_531, %dma_start3A_532] : memref<8x4096xf32, #tpu.memory_space<vmem>> -> memref<8x256xf32, #tpu.memory_space<vmem>>
    %dma_start3A_534 = arith.constant 1792 : i32
    %dma_start3A_535 = tpu.memref_slice %arg2[%add3A_530, %dma_start3A_534] : memref<8192x4096xf32, #tpu.memory_space<hbm>> -> memref<8x256xf32, #tpu.memory_space<hbm>>
    %dma_start3A_536 = arith.constant 0 : i32
    %dma_start3A_537 = arith.constant 0 : i32
    %dma_start3A_538 = tpu.memref_slice %arg5[%dma_start3A_536, %dma_start3A_537] : memref<8x4096xf32, #tpu.memory_space<vmem>> -> memref<8x256xf32, #tpu.memory_space<vmem>>
    %dma_start3A_539 = arith.constant 1792 : i32
    %dma_start3A_540 = tpu.memref_slice %arg2[%add3A_530, %dma_start3A_539] : memref<8192x4096xf32, #tpu.memory_space<hbm>> -> memref<8x256xf32, #tpu.memory_space<hbm>>
    tpu.enqueue_dma source(%dma_start3A_540 : memref<8x256xf32, #tpu.memory_space<hbm>>) target(%dma_start3A_538 : memref<8x256xf32, #tpu.memory_space<vmem>>) target_semaphore(%arg8 : memref<!tpu.dma_semaphore, #tpu.memory_space<semaphore_mem>>)
    %dma_start3A_541 = arith.constant 0 : i32
    %dma_start3A_542 = arith.constant 256 : i32
    %dma_start3A_543 = tpu.memref_slice %arg5[%dma_start3A_541, %dma_start3A_542] : memref<8x4096xf32, #tpu.memory_space<vmem>> -> memref<8x256xf32, #tpu.memory_space<vmem>>
    %dma_start3A_544 = arith.constant 1024 : i32
    %dma_start3A_545 = tpu.memref_slice %arg2[%add3A_530, %dma_start3A_544] : memref<8192x4096xf32, #tpu.memory_space<hbm>> -> memref<8x256xf32, #tpu.memory_space<hbm>>
    %dma_start3A_546 = arith.constant 0 : i32
    %dma_start3A_547 = arith.constant 256 : i32
    %dma_start3A_548 = tpu.memref_slice %arg5[%dma_start3A_546, %dma_start3A_547] : memref<8x4096xf32, #tpu.memory_space<vmem>> -> memref<8x256xf32, #tpu.memory_space<vmem>>
    %dma_start3A_549 = arith.constant 1024 : i32
    %dma_start3A_550 = tpu.memref_slice %arg2[%add3A_530, %dma_start3A_549] : memref<8192x4096xf32, #tpu.memory_space<hbm>> -> memref<8x256xf32, #tpu.memory_space<hbm>>
    tpu.enqueue_dma source(%dma_start3A_550 : memref<8x256xf32, #tpu.memory_space<hbm>>) target(%dma_start3A_548 : memref<8x256xf32, #tpu.memory_space<vmem>>) target_semaphore(%arg8 : memref<!tpu.dma_semaphore, #tpu.memory_space<semaphore_mem>>)
    %dma_start3A_551 = arith.constant 0 : i32
    %dma_start3A_552 = arith.constant 512 : i32
    %dma_start3A_553 = tpu.memref_slice %arg5[%dma_start3A_551, %dma_start3A_552] : memref<8x4096xf32, #tpu.memory_space<vmem>> -> memref<8x256xf32, #tpu.memory_space<vmem>>
    %dma_start3A_554 = arith.constant 512 : i32
    %dma_start3A_555 = tpu.memref_slice %arg2[%add3A_530, %dma_start3A_554] : memref<8192x4096xf32, #tpu.memory_space<hbm>> -> memref<8x256xf32, #tpu.memory_space<hbm>>
    %dma_start3A_556 = arith.constant 0 : i32
    %dma_start3A_557 = arith.constant 512 : i32
    %dma_start3A_558 = tpu.memref_slice %arg5[%dma_start3A_556, %dma_start3A_557] : memref<8x4096xf32, #tpu.memory_space<vmem>> -> memref<8x256xf32, #tpu.memory_space<vmem>>
    %dma_start3A_559 = arith.constant 512 : i32
    %dma_start3A_560 = tpu.memref_slice %arg2[%add3A_530, %dma_start3A_559] : memref<8192x4096xf32, #tpu.memory_space<hbm>> -> memref<8x256xf32, #tpu.memory_space<hbm>>
    tpu.enqueue_dma source(%dma_start3A_560 : memref<8x256xf32, #tpu.memory_space<hbm>>) target(%dma_start3A_558 : memref<8x256xf32, #tpu.memory_space<vmem>>) target_semaphore(%arg8 : memref<!tpu.dma_semaphore, #tpu.memory_space<semaphore_mem>>)
    %dma_start3A_561 = arith.constant 0 : i32
    %dma_start3A_562 = arith.constant 768 : i32
    %dma_start3A_563 = tpu.memref_slice %arg5[%dma_start3A_561, %dma_start3A_562] : memref<8x4096xf32, #tpu.memory_space<vmem>> -> memref<8x256xf32, #tpu.memory_space<vmem>>
    %dma_start3A_564 = arith.constant 1280 : i32
    %dma_start3A_565 = tpu.memref_slice %arg2[%add3A_530, %dma_start3A_564] : memref<8192x4096xf32, #tpu.memory_space<hbm>> -> memref<8x256xf32, #tpu.memory_space<hbm>>
    %dma_start3A_566 = arith.constant 0 : i32
    %dma_start3A_567 = arith.constant 768 : i32
    %dma_start3A_568 = tpu.memref_slice %arg5[%dma_start3A_566, %dma_start3A_567] : memref<8x4096xf32, #tpu.memory_space<vmem>> -> memref<8x256xf32, #tpu.memory_space<vmem>>
    %dma_start3A_569 = arith.constant 1280 : i32
    %dma_start3A_570 = tpu.memref_slice %arg2[%add3A_530, %dma_start3A_569] : memref<8192x4096xf32, #tpu.memory_space<hbm>> -> memref<8x256xf32, #tpu.memory_space<hbm>>
    tpu.enqueue_dma source(%dma_start3A_570 : memref<8x256xf32, #tpu.memory_space<hbm>>) target(%dma_start3A_568 : memref<8x256xf32, #tpu.memory_space<vmem>>) target_semaphore(%arg8 : memref<!tpu.dma_semaphore, #tpu.memory_space<semaphore_mem>>)
    %dma_start3A_571 = arith.constant 0 : i32
    %dma_start3A_572 = arith.constant 1024 : i32
    %dma_start3A_573 = tpu.memref_slice %arg5[%dma_start3A_571, %dma_start3A_572] : memref<8x4096xf32, #tpu.memory_space<vmem>> -> memref<8x256xf32, #tpu.memory_space<vmem>>
    %dma_start3A_574 = arith.constant 768 : i32
    %dma_start3A_575 = tpu.memref_slice %arg2[%add3A_530, %dma_start3A_574] : memref<8192x4096xf32, #tpu.memory_space<hbm>> -> memref<8x256xf32, #tpu.memory_space<hbm>>
    %dma_start3A_576 = arith.constant 0 : i32
    %dma_start3A_577 = arith.constant 1024 : i32
    %dma_start3A_578 = tpu.memref_slice %arg5[%dma_start3A_576, %dma_start3A_577] : memref<8x4096xf32, #tpu.memory_space<vmem>> -> memref<8x256xf32, #tpu.memory_space<vmem>>
    %dma_start3A_579 = arith.constant 768 : i32
    %dma_start3A_580 = tpu.memref_slice %arg2[%add3A_530, %dma_start3A_579] : memref<8192x4096xf32, #tpu.memory_space<hbm>> -> memref<8x256xf32, #tpu.memory_space<hbm>>
    tpu.enqueue_dma source(%dma_start3A_580 : memref<8x256xf32, #tpu.memory_space<hbm>>) target(%dma_start3A_578 : memref<8x256xf32, #tpu.memory_space<vmem>>) target_semaphore(%arg8 : memref<!tpu.dma_semaphore, #tpu.memory_space<semaphore_mem>>)
    %dma_start3A_581 = arith.constant 0 : i32
    %dma_start3A_582 = arith.constant 1280 : i32
    %dma_start3A_583 = tpu.memref_slice %arg5[%dma_start3A_581, %dma_start3A_582] : memref<8x4096xf32, #tpu.memory_space<vmem>> -> memref<8x256xf32, #tpu.memory_space<vmem>>
    %dma_start3A_584 = arith.constant 1536 : i32
    %dma_start3A_585 = tpu.memref_slice %arg2[%add3A_530, %dma_start3A_584] : memref<8192x4096xf32, #tpu.memory_space<hbm>> -> memref<8x256xf32, #tpu.memory_space<hbm>>
    %dma_start3A_586 = arith.constant 0 : i32
    %dma_start3A_587 = arith.constant 1280 : i32
    %dma_start3A_588 = tpu.memref_slice %arg5[%dma_start3A_586, %dma_start3A_587] : memref<8x4096xf32, #tpu.memory_space<vmem>> -> memref<8x256xf32, #tpu.memory_space<vmem>>
    %dma_start3A_589 = arith.constant 1536 : i32
    %dma_start3A_590 = tpu.memref_slice %arg2[%add3A_530, %dma_start3A_589] : memref<8192x4096xf32, #tpu.memory_space<hbm>> -> memref<8x256xf32, #tpu.memory_space<hbm>>
    tpu.enqueue_dma source(%dma_start3A_590 : memref<8x256xf32, #tpu.memory_space<hbm>>) target(%dma_start3A_588 : memref<8x256xf32, #tpu.memory_space<vmem>>) target_semaphore(%arg8 : memref<!tpu.dma_semaphore, #tpu.memory_space<semaphore_mem>>)
    %dma_start3A_591 = arith.constant 0 : i32
    %dma_start3A_592 = arith.constant 1536 : i32
    %dma_start3A_593 = tpu.memref_slice %arg5[%dma_start3A_591, %dma_start3A_592] : memref<8x4096xf32, #tpu.memory_space<vmem>> -> memref<8x512xf32, #tpu.memory_space<vmem>>
    %dma_start3A_594 = arith.constant 2560 : i32
    %dma_start3A_595 = tpu.memref_slice %arg2[%add3A_530, %dma_start3A_594] : memref<8192x4096xf32, #tpu.memory_space<hbm>> -> memref<8x512xf32, #tpu.memory_space<hbm>>
    %dma_start3A_596 = arith.constant 0 : i32
    %dma_start3A_597 = arith.constant 1536 : i32
    %dma_start3A_598 = tpu.memref_slice %arg5[%dma_start3A_596, %dma_start3A_597] : memref<8x4096xf32, #tpu.memory_space<vmem>> -> memref<8x512xf32, #tpu.memory_space<vmem>>
    %dma_start3A_599 = arith.constant 2560 : i32
    %dma_start3A_600 = tpu.memref_slice %arg2[%add3A_530, %dma_start3A_599] : memref<8192x4096xf32, #tpu.memory_space<hbm>> -> memref<8x512xf32, #tpu.memory_space<hbm>>
    tpu.enqueue_dma source(%dma_start3A_600 : memref<8x512xf32, #tpu.memory_space<hbm>>) target(%dma_start3A_598 : memref<8x512xf32, #tpu.memory_space<vmem>>) target_semaphore(%arg8 : memref<!tpu.dma_semaphore, #tpu.memory_space<semaphore_mem>>)
    %dma_start3A_601 = arith.constant 0 : i32
    %dma_start3A_602 = arith.constant 2048 : i32
    %dma_start3A_603 = tpu.memref_slice %arg5[%dma_start3A_601, %dma_start3A_602] : memref<8x4096xf32, #tpu.memory_space<vmem>> -> memref<8x256xf32, #tpu.memory_space<vmem>>
    %dma_start3A_604 = arith.constant 3840 : i32
    %dma_start3A_605 = tpu.memref_slice %arg2[%add3A_530, %dma_start3A_604] : memref<8192x4096xf32, #tpu.memory_space<hbm>> -> memref<8x256xf32, #tpu.memory_space<hbm>>
    %dma_start3A_606 = arith.constant 0 : i32
    %dma_start3A_607 = arith.constant 2048 : i32
    %dma_start3A_608 = tpu.memref_slice %arg5[%dma_start3A_606, %dma_start3A_607] : memref<8x4096xf32, #tpu.memory_space<vmem>> -> memref<8x256xf32, #tpu.memory_space<vmem>>
    %dma_start3A_609 = arith.constant 3840 : i32
    %dma_start3A_610 = tpu.memref_slice %arg2[%add3A_530, %dma_start3A_609] : memref<8192x4096xf32, #tpu.memory_space<hbm>> -> memref<8x256xf32, #tpu.memory_space<hbm>>
    tpu.enqueue_dma source(%dma_start3A_610 : memref<8x256xf32, #tpu.memory_space<hbm>>) target(%dma_start3A_608 : memref<8x256xf32, #tpu.memory_space<vmem>>) target_semaphore(%arg8 : memref<!tpu.dma_semaphore, #tpu.memory_space<semaphore_mem>>)
    %dma_start3A_611 = arith.constant 0 : i32
    %dma_start3A_612 = arith.constant 2304 : i32
    %dma_start3A_613 = tpu.memref_slice %arg5[%dma_start3A_611, %dma_start3A_612] : memref<8x4096xf32, #tpu.memory_space<vmem>> -> memref<8x512xf32, #tpu.memory_space<vmem>>
    %dma_start3A_614 = arith.constant 2048 : i32
    %dma_start3A_615 = tpu.memref_slice %arg2[%add3A_530, %dma_start3A_614] : memref<8192x4096xf32, #tpu.memory_space<hbm>> -> memref<8x512xf32, #tpu.memory_space<hbm>>
    %dma_start3A_616 = arith.constant 0 : i32
    %dma_start3A_617 = arith.constant 2304 : i32
    %dma_start3A_618 = tpu.memref_slice %arg5[%dma_start3A_616, %dma_start3A_617] : memref<8x4096xf32, #tpu.memory_space<vmem>> -> memref<8x512xf32, #tpu.memory_space<vmem>>
    %dma_start3A_619 = arith.constant 2048 : i32
    %dma_start3A_620 = tpu.memref_slice %arg2[%add3A_530, %dma_start3A_619] : memref<8192x4096xf32, #tpu.memory_space<hbm>> -> memref<8x512xf32, #tpu.memory_space<hbm>>
    tpu.enqueue_dma source(%dma_start3A_620 : memref<8x512xf32, #tpu.memory_space<hbm>>) target(%dma_start3A_618 : memref<8x512xf32, #tpu.memory_space<vmem>>) target_semaphore(%arg8 : memref<!tpu.dma_semaphore, #tpu.memory_space<semaphore_mem>>)
    %dma_start3A_621 = arith.constant 0 : i32
    %dma_start3A_622 = arith.constant 2816 : i32
    %dma_start3A_623 = tpu.memref_slice %arg5[%dma_start3A_621, %dma_start3A_622] : memref<8x4096xf32, #tpu.memory_space<vmem>> -> memref<8x512xf32, #tpu.memory_space<vmem>>
    %dma_start3A_624 = arith.constant 3328 : i32
    %dma_start3A_625 = tpu.memref_slice %arg2[%add3A_530, %dma_start3A_624] : memref<8192x4096xf32, #tpu.memory_space<hbm>> -> memref<8x512xf32, #tpu.memory_space<hbm>>
    %dma_start3A_626 = arith.constant 0 : i32
    %dma_start3A_627 = arith.constant 2816 : i32
    %dma_start3A_628 = tpu.memref_slice %arg5[%dma_start3A_626, %dma_start3A_627] : memref<8x4096xf32, #tpu.memory_space<vmem>> -> memref<8x512xf32, #tpu.memory_space<vmem>>
    %dma_start3A_629 = arith.constant 3328 : i32
    %dma_start3A_630 = tpu.memref_slice %arg2[%add3A_530, %dma_start3A_629] : memref<8192x4096xf32, #tpu.memory_space<hbm>> -> memref<8x512xf32, #tpu.memory_space<hbm>>
    tpu.enqueue_dma source(%dma_start3A_630 : memref<8x512xf32, #tpu.memory_space<hbm>>) target(%dma_start3A_628 : memref<8x512xf32, #tpu.memory_space<vmem>>) target_semaphore(%arg8 : memref<!tpu.dma_semaphore, #tpu.memory_space<semaphore_mem>>)
    %dma_start3A_631 = arith.constant 0 : i32
    %dma_start3A_632 = arith.constant 3328 : i32
    %dma_start3A_633 = tpu.memref_slice %arg5[%dma_start3A_631, %dma_start3A_632] : memref<8x4096xf32, #tpu.memory_space<vmem>> -> memref<8x512xf32, #tpu.memory_space<vmem>>
    %dma_start3A_634 = arith.constant 0 : i32
    %dma_start3A_635 = tpu.memref_slice %arg2[%add3A_530, %dma_start3A_634] : memref<8192x4096xf32, #tpu.memory_space<hbm>> -> memref<8x512xf32, #tpu.memory_space<hbm>>
    %dma_start3A_636 = arith.constant 0 : i32
    %dma_start3A_637 = arith.constant 3328 : i32
    %dma_start3A_638 = tpu.memref_slice %arg5[%dma_start3A_636, %dma_start3A_637] : memref<8x4096xf32, #tpu.memory_space<vmem>> -> memref<8x512xf32, #tpu.memory_space<vmem>>
    %dma_start3A_639 = arith.constant 0 : i32
    %dma_start3A_640 = tpu.memref_slice %arg2[%add3A_530, %dma_start3A_639] : memref<8192x4096xf32, #tpu.memory_space<hbm>> -> memref<8x512xf32, #tpu.memory_space<hbm>>
    tpu.enqueue_dma source(%dma_start3A_640 : memref<8x512xf32, #tpu.memory_space<hbm>>) target(%dma_start3A_638 : memref<8x512xf32, #tpu.memory_space<vmem>>) target_semaphore(%arg8 : memref<!tpu.dma_semaphore, #tpu.memory_space<semaphore_mem>>)
    %dma_start3A_641 = arith.constant 0 : i32
    %dma_start3A_642 = arith.constant 3840 : i32
    %dma_start3A_643 = tpu.memref_slice %arg5[%dma_start3A_641, %dma_start3A_642] : memref<8x4096xf32, #tpu.memory_space<vmem>> -> memref<8x256xf32, #tpu.memory_space<vmem>>
    %dma_start3A_644 = arith.constant 3072 : i32
    %dma_start3A_645 = tpu.memref_slice %arg2[%add3A_530, %dma_start3A_644] : memref<8192x4096xf32, #tpu.memory_space<hbm>> -> memref<8x256xf32, #tpu.memory_space<hbm>>
    %dma_start3A_646 = arith.constant 0 : i32
    %dma_start3A_647 = arith.constant 3840 : i32
    %dma_start3A_648 = tpu.memref_slice %arg5[%dma_start3A_646, %dma_start3A_647] : memref<8x4096xf32, #tpu.memory_space<vmem>> -> memref<8x256xf32, #tpu.memory_space<vmem>>
    %dma_start3A_649 = arith.constant 3072 : i32
    %dma_start3A_650 = tpu.memref_slice %arg2[%add3A_530, %dma_start3A_649] : memref<8192x4096xf32, #tpu.memory_space<hbm>> -> memref<8x256xf32, #tpu.memory_space<hbm>>
    tpu.enqueue_dma source(%dma_start3A_650 : memref<8x256xf32, #tpu.memory_space<hbm>>) target(%dma_start3A_648 : memref<8x256xf32, #tpu.memory_space<vmem>>) target_semaphore(%arg8 : memref<!tpu.dma_semaphore, #tpu.memory_space<semaphore_mem>>)
    %add3A_651 = arith.constant 232 : i32
    %add3A_652 = arith.addi %mul3A_2, %add3A_651 : i32
    %dma_wait3A_653 = arith.constant 0 : i32
    %dma_wait3A_654 = tpu.memref_slice %arg2[%add3A_652, %dma_wait3A_653] : memref<8192x4096xf32, #tpu.memory_space<hbm>> -> memref<8x4096xf32, #tpu.memory_space<hbm>>
    %dma_wait3A_655 = arith.constant 0 : i32
    %dma_wait3A_656 = tpu.memref_slice %arg2[%add3A_652, %dma_wait3A_655] : memref<8192x4096xf32, #tpu.memory_space<hbm>> -> memref<8x4096xf32, #tpu.memory_space<hbm>>
    tpu.wait_dma2 semaphore(%arg9 : memref<!tpu.dma_semaphore, #tpu.memory_space<semaphore_mem>>) src(%dma_wait3A_656 : memref<8x4096xf32, #tpu.memory_space<hbm>>) dst(%arg6 : memref<8x4096xf32, #tpu.memory_space<vmem>>)
    %add3A_657 = arith.constant 232 : i32
    %add3A_658 = arith.addi %mul3A_2, %add3A_657 : i32
    %dma_start3A_659 = arith.constant 0 : i32
    %dma_start3A_660 = tpu.memref_slice %arg3[%add3A_658, %dma_start3A_659] : memref<8192x4096xf32, #tpu.memory_space<hbm>> -> memref<8x4096xf32, #tpu.memory_space<hbm>>
    %dma_start3A_661 = arith.constant 0 : i32
    %dma_start3A_662 = tpu.memref_slice %arg3[%add3A_658, %dma_start3A_661] : memref<8192x4096xf32, #tpu.memory_space<hbm>> -> memref<8x4096xf32, #tpu.memory_space<hbm>>
    tpu.enqueue_dma source(%arg6 : memref<8x4096xf32, #tpu.memory_space<vmem>>) target(%dma_start3A_662 : memref<8x4096xf32, #tpu.memory_space<hbm>>) target_semaphore(%arg12 : memref<!tpu.dma_semaphore, #tpu.memory_space<semaphore_mem>>)
    %add3A_663 = arith.constant 232 : i32
    %add3A_664 = arith.addi %mul3A_2, %add3A_663 : i32
    %dma_wait3A_665 = arith.constant 0 : i32
    %dma_wait3A_666 = tpu.memref_slice %arg3[%add3A_664, %dma_wait3A_665] : memref<8192x4096xf32, #tpu.memory_space<hbm>> -> memref<8x4096xf32, #tpu.memory_space<hbm>>
    %dma_wait3A_667 = arith.constant 0 : i32
    %dma_wait3A_668 = tpu.memref_slice %arg3[%add3A_664, %dma_wait3A_667] : memref<8192x4096xf32, #tpu.memory_space<hbm>> -> memref<8x4096xf32, #tpu.memory_space<hbm>>
    tpu.wait_dma2 semaphore(%arg12 : memref<!tpu.dma_semaphore, #tpu.memory_space<semaphore_mem>>) src(%arg6 : memref<8x4096xf32, #tpu.memory_space<vmem>>) dst(%dma_wait3A_668 : memref<8x4096xf32, #tpu.memory_space<hbm>>)
    %add3A_669 = arith.constant 240 : i32
    %add3A_670 = arith.addi %mul3A_2, %add3A_669 : i32
    %dma_wait3A_671 = arith.constant 0 : i32
    %dma_wait3A_672 = tpu.memref_slice %arg2[%add3A_670, %dma_wait3A_671] : memref<8192x4096xf32, #tpu.memory_space<hbm>> -> memref<8x4096xf32, #tpu.memory_space<hbm>>
    %dma_wait3A_673 = arith.constant 0 : i32
    %dma_wait3A_674 = tpu.memref_slice %arg2[%add3A_670, %dma_wait3A_673] : memref<8192x4096xf32, #tpu.memory_space<hbm>> -> memref<8x4096xf32, #tpu.memory_space<hbm>>
    tpu.wait_dma2 semaphore(%arg7 : memref<!tpu.dma_semaphore, #tpu.memory_space<semaphore_mem>>) src(%dma_wait3A_674 : memref<8x4096xf32, #tpu.memory_space<hbm>>) dst(%arg4 : memref<8x4096xf32, #tpu.memory_space<vmem>>)
    %add3A_675 = arith.constant 240 : i32
    %add3A_676 = arith.addi %mul3A_2, %add3A_675 : i32
    %dma_start3A_677 = arith.constant 0 : i32
    %dma_start3A_678 = tpu.memref_slice %arg3[%add3A_676, %dma_start3A_677] : memref<8192x4096xf32, #tpu.memory_space<hbm>> -> memref<8x4096xf32, #tpu.memory_space<hbm>>
    %dma_start3A_679 = arith.constant 0 : i32
    %dma_start3A_680 = tpu.memref_slice %arg3[%add3A_676, %dma_start3A_679] : memref<8192x4096xf32, #tpu.memory_space<hbm>> -> memref<8x4096xf32, #tpu.memory_space<hbm>>
    tpu.enqueue_dma source(%arg4 : memref<8x4096xf32, #tpu.memory_space<vmem>>) target(%dma_start3A_680 : memref<8x4096xf32, #tpu.memory_space<hbm>>) target_semaphore(%arg10 : memref<!tpu.dma_semaphore, #tpu.memory_space<semaphore_mem>>)
    %add3A_681 = arith.constant 240 : i32
    %add3A_682 = arith.addi %mul3A_2, %add3A_681 : i32
    %dma_wait3A_683 = arith.constant 0 : i32
    %dma_wait3A_684 = tpu.memref_slice %arg3[%add3A_682, %dma_wait3A_683] : memref<8192x4096xf32, #tpu.memory_space<hbm>> -> memref<8x4096xf32, #tpu.memory_space<hbm>>
    %dma_wait3A_685 = arith.constant 0 : i32
    %dma_wait3A_686 = tpu.memref_slice %arg3[%add3A_682, %dma_wait3A_685] : memref<8192x4096xf32, #tpu.memory_space<hbm>> -> memref<8x4096xf32, #tpu.memory_space<hbm>>
    tpu.wait_dma2 semaphore(%arg10 : memref<!tpu.dma_semaphore, #tpu.memory_space<semaphore_mem>>) src(%arg4 : memref<8x4096xf32, #tpu.memory_space<vmem>>) dst(%dma_wait3A_686 : memref<8x4096xf32, #tpu.memory_space<hbm>>)
    %add3A_687 = arith.constant 248 : i32
    %add3A_688 = arith.addi %mul3A_2, %add3A_687 : i32
    %dma_wait3A_689 = arith.constant 0 : i32
    %dma_wait3A_690 = tpu.memref_slice %arg2[%add3A_688, %dma_wait3A_689] : memref<8192x4096xf32, #tpu.memory_space<hbm>> -> memref<8x4096xf32, #tpu.memory_space<hbm>>
    %dma_wait3A_691 = arith.constant 0 : i32
    %dma_wait3A_692 = tpu.memref_slice %arg2[%add3A_688, %dma_wait3A_691] : memref<8192x4096xf32, #tpu.memory_space<hbm>> -> memref<8x4096xf32, #tpu.memory_space<hbm>>
    tpu.wait_dma2 semaphore(%arg8 : memref<!tpu.dma_semaphore, #tpu.memory_space<semaphore_mem>>) src(%dma_wait3A_692 : memref<8x4096xf32, #tpu.memory_space<hbm>>) dst(%arg5 : memref<8x4096xf32, #tpu.memory_space<vmem>>)
    %add3A_693 = arith.constant 248 : i32
    %add3A_694 = arith.addi %mul3A_2, %add3A_693 : i32
    %dma_start3A_695 = arith.constant 0 : i32
    %dma_start3A_696 = tpu.memref_slice %arg3[%add3A_694, %dma_start3A_695] : memref<8192x4096xf32, #tpu.memory_space<hbm>> -> memref<8x4096xf32, #tpu.memory_space<hbm>>
    %dma_start3A_697 = arith.constant 0 : i32
    %dma_start3A_698 = tpu.memref_slice %arg3[%add3A_694, %dma_start3A_697] : memref<8192x4096xf32, #tpu.memory_space<hbm>> -> memref<8x4096xf32, #tpu.memory_space<hbm>>
    tpu.enqueue_dma source(%arg5 : memref<8x4096xf32, #tpu.memory_space<vmem>>) target(%dma_start3A_698 : memref<8x4096xf32, #tpu.memory_space<hbm>>) target_semaphore(%arg11 : memref<!tpu.dma_semaphore, #tpu.memory_space<semaphore_mem>>)
    %add3A_699 = arith.constant 248 : i32
    %add3A_700 = arith.addi %mul3A_2, %add3A_699 : i32
    %dma_wait3A_701 = arith.constant 0 : i32
    %dma_wait3A_702 = tpu.memref_slice %arg3[%add3A_700, %dma_wait3A_701] : memref<8192x4096xf32, #tpu.memory_space<hbm>> -> memref<8x4096xf32, #tpu.memory_space<hbm>>
    %dma_wait3A_703 = arith.constant 0 : i32
    %dma_wait3A_704 = tpu.memref_slice %arg3[%add3A_700, %dma_wait3A_703] : memref<8192x4096xf32, #tpu.memory_space<hbm>> -> memref<8x4096xf32, #tpu.memory_space<hbm>>
    tpu.wait_dma2 semaphore(%arg11 : memref<!tpu.dma_semaphore, #tpu.memory_space<semaphore_mem>>) src(%arg5 : memref<8x4096xf32, #tpu.memory_space<vmem>>) dst(%dma_wait3A_704 : memref<8x4096xf32, #tpu.memory_space<hbm>>)
    return
  }
}

</mosaic_0001>

<sc_bundles>
// kernel: kernel.3.cloned.1.call-start
scs
__scs_entry_jumppad:
0x0: {  	(pc) =	sbr.rel $0x88, $3  }
0x1: {  	(tag) =	ssettag $0x0;
	lr =	simm.s32 $0x1  }
0x2: {  	[smem:$0x3FA0] =	sst lr;
	_ =	strace $0xD0000000  }
0x3: {  	_ = 	snop  }
0x4: {  	_ = 	snop  }
0x5: {  	_ = 	snop  }
0x6: {  	_ = 	snop  }
0x7: {  	_ = 	snop  }
__scs_overlays_trampoline_lowered:
0x8: {  	[smem:$0x3FAF] =	sst s0  }
0x9: {  	[smem:$0x3FB0] =	sst s1  }
0xa: {  	[smem:$0x3FB1] =	sst s2  }
0xb: {  	[smem:$0x3FB2] =	sst s3  }
0xc: {  	[smem:$0x3FB3] =	sst s4  }
0xd: {  	[smem:$0x3FB4] =	sst s5  }
0xe: {  	[smem:$0x3FB5] =	sst s6  }
0xf: {  	[smem:$0x3FB6] =	sst s7  }
0x10: {  	[smem:$0x3FB7] =	sst s8  }
0x11: {  	[smem:$0x3FB8] =	sst s9;
	s0 =	simm.s32 @!p0 $0x0  }
0x12: {  	s1 =	sld [smem:$0x3F9E];
	s0 =	simm.s32 @p0 $0x1  }
0x13: {  	[smem:$0x3FB9] =	sst s0;
	s0 =	simm.s32 @!p1 $0x0  }
0x14: {  	s2 =	sld [smem:$0x3F9D];
	s0 =	simm.s32 @p1 $0x1  }
0x15: {  	[smem:$0x3FBA] =	sst s0;
	s0 =	simm.s32 @!p2 $0x0  }
0x16: {  	s3 =	sld [smem:$0x3FDB];
	s0 =	simm.s32 @p2 $0x1  }
0x17: {  	s4 =	simm.s32 $0x1BF5;
	[smem:$0x3FBC] =	sst s0  }
0x18: {  	s0 =	sld [smem:$0x3F9F];
	_ =	swait.ge [sflag:s4], $0x0  }
0x19: {  	s7 =	sld [smem:$0x3FA0]  }
0x1a: {  	s8 =	sadd.s32 $0xFFFFE003, lr  }
0x1b: {  	s9 =	sadd.s32 $0xFFFFFEF7, lr;
	s5 =	simm.s32 $0xFFFFFFFF;
	p2 =	slt.u32 s8, $0xFFFFF086  }
0x1c: {  	p1 =	slt.u32 s9, $0xF7A;
	s5 =	simm.s32 @!p2 $0x0  }
0x1d: {  	s5 =	simm.s32 @p1 $0x1;
	p0 =	seq.s32 s7, s2  }
0x1e: {  	s7 =	smul.u32 @!p0 $0xF7A, s2;
	p2 =	seq.s32 @!p0 s5, $0x0  }
0x1f: {  	s9 =	smul.u32 $0xF7A, s1;
	s8 =	simm.s32 @!p0 $0x1BF5;
	p2 =	por !p2, p0  }
0x20: {  	[sflag:s8] =	ssyncset.s32 @!p0 $0xFFFFF086;
	s6 =	sadd.s32 @!p0 s3, s7;
	s7 =	simm.s32 @!p0 $0x108  }
0x21: {  	s3 =	sadd.s32 s3, s9;
	s6 =	sadd.s32 @!p0 $0x88, s6;
	s7 =	simm.s32 @p2 $0x1082  }
0x22: {  	[simem:s7], [sflag:s8] =	dma.local @!p0 [hbm:s6], $0xF7A  }
0x23: {  	s9 =	sor.u32 $0xD0000000, s2;
	s6 =	simm.s32 $0x108;
	_ =	swait.ge @!p0 [sflag:s8], $0x0  }
0x24: {  	s3 =	sadd.s32 $0x88, s3;
	s6 =	simm.s32 @!p1 $0x1082;
	[sflag:s4] =	ssyncset.s32 $0xFFFFF086  }
0x25: {  	[simem:s6], [sflag:s4] =	dma.local [hbm:s3], $0xF7A  }
0x26: {  	[smem:$0x3FA0] =	sst s1;
	(tag) =	ssettag s2;
	_ =	strace s9  }
0x27: {  	s1 =	sld [smem:$0x3FB0]  }
0x28: {  	s2 =	sld [smem:$0x3FB1]  }
0x29: {  	s4 =	sld [smem:$0x3FB3]  }
0x2a: {  	p0 =	seq.s32 s5, $0x0;
	s5 =	sld [smem:$0x3FB4]  }
0x2b: {  	s6 =	sld [smem:$0x3FB5]  }
0x2c: {  	s7 =	sld [smem:$0x3FB6]  }
0x2d: {  	s3 =	simm.s32 $0x108;
	s8 =	sld [smem:$0x3FB7]  }
0x2e: {  	s3 =	simm.s32 @!p0 $0x1082;
	s9 =	sld [smem:$0x3FB8]  }
0x2f: {  	lr =	sadd.s32 s0, s3;
	s0 =	sld [smem:$0x3FAF]  }
0x30: {  	s3 =	sld [smem:$0x3FB2]  }
0x31: {  	[smem:$0x3FBB] =	sst s10  }
0x32: {  	s10 =	sld [smem:$0x3FB9];
	_ =	sdelay $0x3  }
0x33: {  	p0 =	seq.s32 s10, $0x1;
	s10 =	sld [smem:$0x3FBB];
	_ =	sdelay $0x3  }
0x34: {  	[smem:$0x3FBB] =	sst s10  }
0x35: {  	s10 =	sld [smem:$0x3FBA];
	_ =	sdelay $0x3  }
0x36: {  	p1 =	seq.s32 s10, $0x1;
	s10 =	sld [smem:$0x3FBB];
	_ =	sdelay $0x3  }
0x37: {  	[smem:$0x3FBB] =	sst s10  }
0x38: {  	s10 =	sld [smem:$0x3FBC]  }
0x39: {  	_ = 	snop;
	(pc) =	sbr.ind lr, $3  }
0x3a: {  	_ = 	snop  }
0x3b: {  	_ = 	snop  }
0x3c: {  	p2 =	seq.s32 s10, $0x1;
	s10 =	sld [smem:$0x3FBB]  }
0x3d: {  	_ =	shalt  }
0x3e: {  	_ =	shalt  }
0x3f: {  	_ =	shalt  }
0x40: {  	_ =	shalt  }
0x41: {  	_ =	shalt  }
0x42: {  	_ =	shalt  }
0x43: {  	_ =	shalt  }
0x44: {  	_ =	shalt  }
0x45: {  	_ =	shalt  }
0x46: {  	_ =	shalt  }
0x47: {  	_ =	shalt  }
0x48: {  	_ =	shalt  }
0x49: {  	_ =	shalt  }
0x4a: {  	_ =	shalt  }
0x4b: {  	_ =	shalt  }
0x4c: {  	_ =	shalt  }
0x4d: {  	_ =	shalt  }
0x4e: {  	_ =	shalt  }
0x4f: {  	_ =	shalt  }
0x50: {  	_ =	shalt  }
0x51: {  	_ =	shalt  }
0x52: {  	_ =	shalt  }
0x53: {  	_ =	shalt  }
0x54: {  	_ =	shalt  }
0x55: {  	_ =	shalt  }
0x56: {  	_ =	shalt  }
0x57: {  	_ =	shalt  }
0x58: {  	_ =	shalt  }
0x59: {  	_ =	shalt  }
0x5a: {  	_ =	shalt  }
0x5b: {  	_ =	shalt  }
0x5c: {  	_ =	shalt  }
0x5d: {  	_ =	shalt  }
0x5e: {  	_ =	shalt  }
0x5f: {  	_ =	shalt  }
0x60: {  	_ =	shalt  }
0x61: {  	_ =	shalt  }
0x62: {  	_ =	shalt  }
0x63: {  	_ =	shalt  }
0x64: {  	_ =	shalt  }
0x65: {  	_ =	shalt  }
0x66: {  	_ =	shalt  }
0x67: {  	_ =	shalt  }
0x68: {  	_ =	shalt  }
0x69: {  	_ =	shalt  }
0x6a: {  	_ =	shalt  }
0x6b: {  	_ =	shalt  }
0x6c: {  	_ =	shalt  }
0x6d: {  	_ =	shalt  }
0x6e: {  	_ =	shalt  }
0x6f: {  	_ =	shalt  }
0x70: {  	_ =	shalt  }
0x71: {  	_ =	shalt  }
0x72: {  	_ =	shalt  }
0x73: {  	_ =	shalt  }
0x74: {  	_ =	shalt  }
0x75: {  	_ =	shalt  }
0x76: {  	_ =	shalt  }
0x77: {  	_ =	shalt  }
0x78: {  	_ =	shalt  }
0x79: {  	_ =	shalt  }
0x7a: {  	_ =	shalt  }
0x7b: {  	_ =	shalt  }
0x7c: {  	_ =	shalt  }
0x7d: {  	_ =	shalt  }
0x7e: {  	_ =	shalt  }
0x7f: {  	_ =	shalt  }
0x80: {  	_ =	shalt  }
0x81: {  	_ =	shalt  }
0x82: {  	_ =	shalt  }
0x83: {  	_ =	shalt  }
0x84: {  	_ =	shalt  }
0x85: {  	_ =	shalt  }
0x86: {  	_ =	shalt  }
0x87: {  	_ =	shalt  }
.Lfunc_end0:
.L_simem_size_0:
called_computation_lowered:
.L_overlay_start_0:
0x88: {  	s2 =	sld [smem:$0x3FD9]  }
0x89: {  	s3 =	sld [smem:$0x3FFE];
	_ =	sdelay $0x1  }
0x8a: {  	s1 =	srdreg.scid  }
0x8b: {  	s0 =	sand.u32 $0x1, s1  }
0x8c: {  	s18 =	sshll.u32 s0, $0xA;
	s2 =	sadd.s32 s3, s2  }
0x8d: {  	s2 =	sadd.s32 s2, s18  }
0x8e: {  	[smem:$0x3FC7] =	sst s2  }
0x8f: {  	_ = 	snop  }
0x90: {  	s2 =	sld [smem:$0x3FC9]  }
0x91: {  	s19 =	sld [smem:$0x3FD0];
	(tm) =	ssettm $0x1  }
0x92: {  	s4 =	sld [smem:$0x3FFB];
	_ =	sdelay $0x3  }
0x93: {  	_ =	strace s4  }
0x94: {  	s4 =	sld [smem:$0x3FFC];
	_ =	sdelay $0x3  }
0x95: {  	_ =	strace s4  }
0x96: {  	s4 =	sld [smem:$0x3FFD];
	_ =	sdelay $0x3  }
0x97: {  	_ =	strace s4  }
0x98: {  	_ =	strace $0x8FFFFFFF  }
0x99: {  	s20 =	sld [smem:$0x3FDB];
	_ =	sdelay $0x1  }
0x9a: {  	s5 =	simm.s32 $_scs_section_size  }
0x9b: {  	s6 =	simm.s32 $_size__tile_overlayer_lowered;
	s7 =	simm.s32 $_tile_overlayer_lowered  }
0x9c: {  	s23 =	simm.s32 $0x1BFF;
	s22 =	sshll.u32 s7, $0x1;
	s4 =	sadd.s32 s5, s20  }
0x9d: {  	s8 =	simm.s32 $0x0;
	s21 =	sshll.u32 s6, $0x1;
	s6 =	sadd.s32 s22, s4  }
0x9e: {  	[timem:s8], [sflag:s23] =	dma.local [hbm:s6], s21  }
0x9f: {  	_ =	swait.ge [sflag:s23], s21  }
0xa0: {  	s5 =	ssub.s32 $0x0, s21;
	[sflag:s23] =	ssyncset.done $0x0  }
0xa1: {  	[sflag:s23] =	ssyncadd.s32 s5;
	_ =	sdelay $0x1  }
0xa2: {  	s24 =	simm.s32 $0x1B8B  }
0xa3: {  	_ =	swait.ge [sflag:s24], $0x1  }
0xa4: {  	[sflag:s24] =	ssyncset.done $0x0  }
0xa5: {  	s25 =	simm.s32 $0x1B8E;
	[sflag:s24] =	ssyncadd.s32 $0xFFFFFFFF  }
0xa6: {  	s26 =	simm.s32 $execute0_lowered;
	[smem:$0x3FD2] =	sst s25  }
0xa7: {  	s5 =	sshll.u32 s26, $0x1;
	_ =	strace $0x80000046;
	[dreg:$0x1] =	wrdreg $0xFFFFFFFF  }
0xa8: {  	s28 =	simm.s32 $_size_execute0_lowered;
	s4 =	sadd.s32 s4, s5;
	[dreg:$0x0] =	wrdreg $0x0  }
0xa9: {  	s5 =	sshll.u32 s28, $0x1;
	[dreg:$0x2] =	wrdreg s4  }
0xaa: {  	[dreg:$0x3] =	wrdreg s5  }
0xab: {  	[dreg:$0x4] =	wrdreg $0xC0  }
0xac: {  	_ =	task [dreg:s8], $0x5FFFF  }
0xad: {  	[dreg:$0x1] =	wrdreg $0xFFFFFFFF  }
0xae: {  	[dreg:$0x0] =	wrdreg $0x60  }
0xaf: {  	[dreg:$0x2] =	wrdreg s2  }
0xb0: {  	[dreg:$0x3] =	wrdreg s19  }
0xb1: {  	[dreg:$0x4] =	wrdreg $0x9  }
0xb2: {  	_ =	task.clear_ibuf [dreg:s8], $0x5FFFF;
	_ =	strace $0x90000046  }
0xb3: {  	s29 =	simm.s32 $0x9;
	_ =	strace $0x80000048  }
0xb4: {  	_ =	swait.ge [sflag:s29], $0x1  }
0xb5: {  	[sflag:s29] =	ssyncadd.s32 $0xFFFFFFFF  }
0xb6: {  	_ =	strace $0x90000048  }
0xb7: {  	_ =	sfence  }
0xb8: {  	s30 =	sld [smem:$0x0];
	_ =	sdelay $0x2  }
0xb9: {  	s31 =	sshll.u32 s1, $0xD;
	s1 =	sshrl.u32 s1, $0x2  }
0xba: {  	s3 =	sand.u32 $0x4000, s31;
	s1 =	sadd.s32 s1, s30  }
0xbb: {  	s0 =	sor.u32 s3, s0;
	s1 =	sshll.u32 s1, $0x11  }
0xbc: {  	s0 =	sor.u32 s1, s0  }
0xbd: {  	s0 =	sadd.s32 $0x8F2B, s0  }
0xbe: {  	[sflag:s0] =	ssyncadd.remote.s32 $0x1  }
0xbf: {  	_ =	sfence.sel $0xFFFF  }
0xc0: {  	[dreg:$0x0] =	wrdreg $0xFFFFFFFF;
	(pc) =	sbr.abs _section_cstart, $3  }
0xc1: {  	[dreg:$0x1] =	wrdreg $0xFFFFFFFF  }
0xc2: {  	_ =	task.clear_ibuf [dreg:s8], $0x2FFFF;
	_ =	strace $0x9FFFFFFF  }
0xc3: {  	(tm) =	ssettm $0x7FFFFFFF  }
tec
execute0_lowered:
.L_overlay_start_1:
0x0: {  	(tag) =	ssettag $0x1  }
0x1: {  	s0 =	rddreg [dreg:$0x0];
	s1 =	srdreg.scid  }
0x2: {  	s3 =	rddreg [dreg:$0x1];
	s2 =	stileid.u32  }
0x3: {  	s1 =	sand.u32 $0x1, s1;
	s5 =	sshll.u32 s2, $0x11;
	s2 =	simm.s32 $0x0  }
0x4: {  	s4 =	sshll.u32 s1, $0x15;
	s1 =	ssub.s32 $0x2, s1;
	[smem:$0x7FF] =	sst s2  }
0x5: {  	s6 =	sor.u32 s5, s4;
	s7 =	sshrl.u32 s1, $0x1;
	s28 =	sadd.s32 s4, s0  }
0x6: {  	s4 =	sadd.s32 s4, s3;
	s1 =	ssub.s32 s1, s7;
	s7 =	sadd.s32 s5, s28  }
0x7: {  	_ =	strace $0x80000047;
	s4 =	sadd.s32 s5, s4;
	[dreg:$0x3] =	wrdreg s7  }
0x8: {  	s8 =	sadd.s32 s0, s6;
	[dreg:$0x4] =	wrdreg s4  }
0x9: {  	s15 =	sadd.s32 $0x700, s8;
	[dreg:$0x5] =	wrdreg s8  }
0xa: {  	s16 =	sadd.s32 $0x400, s8;
	[dreg:$0x6] =	wrdreg s15  }
0xb: {  	s17 =	sadd.s32 $0x200, s8;
	[dreg:$0x7] =	wrdreg s16  }
0xc: {  	s18 =	sadd.s32 $0x500, s8;
	[dreg:$0x8] =	wrdreg s17  }
0xd: {  	s19 =	sadd.s32 $0x300, s8;
	[dreg:$0x9] =	wrdreg s18  }
0xe: {  	s20 =	sadd.s32 $0x600, s8;
	[dreg:$0xa] =	wrdreg s19  }
0xf: {  	s21 =	sadd.s32 $0xA00, s8;
	[dreg:$0xb] =	wrdreg s20  }
0x10: {  	s22 =	sadd.s32 $0xF00, s8;
	[dreg:$0xc] =	wrdreg s21  }
0x11: {  	s23 =	sadd.s32 $0x800, s8;
	[dreg:$0xd] =	wrdreg s22  }
0x12: {  	s24 =	sadd.s32 $0xD00, s8;
	[dreg:$0xe] =	wrdreg s23  }
0x13: {  	s25 =	sadd.s32 $0xC00, s8;
	[dreg:$0xf] =	wrdreg s24  }
0x14: {  	s26 =	sadd.s32 $0x1700, s8;
	[dreg:$0x10] =	wrdreg s25  }
0x15: {  	s9 =	sadd.s32 $0x1400, s8;
	[dreg:$0x11] =	wrdreg s26  }
0x16: {  	s30 =	sor.u32 $0x1E000, s6;
	s29 =	sadd.s32 $0x1200, s8;
	[dreg:$0x12] =	wrdreg s9  }
0x17: {  	s31 =	sadd.s32 s0, s30;
	[dreg:$0x13] =	wrdreg s29  }
0x18: {  	s10 =	sadd.s32 s3, s30;
	[dreg:$0x15] =	wrdreg s31  }
0x19: {  	s12 =	sadd.s32 $0x1500, s8;
	[dreg:$0x17] =	wrdreg s10  }
0x1a: {  	s13 =	sadd.s32 $0x1300, s8;
	[dreg:$0x19] =	wrdreg s12  }
0x1b: {  	s14 =	smax.u32 s1, $0x1;
	[dreg:$0x1a] =	wrdreg s13  }
0x1c: {  	s28 =	sadd.s32 $0x2600, s8;
	[dreg:$0x1b] =	wrdreg s14  }
0x1d: {  	s30 =	sadd.s32 $0x2F00, s8;
	[smem:$0x7DF] =	sst s28  }
0x1e: {  	s1 =	sadd.s32 $0x2D00, s8;
	[smem:$0x7E1] =	sst s30  }
0x1f: {  	s4 =	sadd.s32 $0x2C00, s8;
	[smem:$0x7E3] =	sst s1  }
0x20: {  	s5 =	sadd.s32 $0x1E700, s8;
	[smem:$0x7E5] =	sst s4  }
0x21: {  	s7 =	sadd.s32 $0x1E200, s8;
	[smem:$0x7E6] =	sst s5  }
0x22: {  	s15 =	sadd.s32 $0x1600, s8;
	[smem:$0x7E8] =	sst s7  }
0x23: {  	s16 =	sadd.s32 $0x1A00, s8;
	[dreg:$0x1c] =	wrdreg s15  }
0x24: {  	s17 =	sadd.s32 $0x1F00, s8;
	[dreg:$0x1d] =	wrdreg s16  }
0x25: {  	s18 =	sadd.s32 $0x1800, s8;
	[dreg:$0x1e] =	wrdreg s17  }
0x26: {  	s19 =	sadd.s32 $0x1D00, s8;
	[dreg:$0x1f] =	wrdreg s18  }
0x27: {  	s20 =	sadd.s32 $0x1000, s8;
	[smem:$0x7D7] =	sst s19  }
0x28: {  	s21 =	sadd.s32 $0x1C00, s8;
	[smem:$0x7D8] =	sst s20  }
0x29: {  	s22 =	sadd.s32 $0x2700, s8;
	[smem:$0x7D9] =	sst s21  }
0x2a: {  	s23 =	sadd.s32 $0x2400, s8;
	[smem:$0x7DA] =	sst s22  }
0x2b: {  	s24 =	sadd.s32 $0x2200, s8;
	[smem:$0x7DB] =	sst s23  }
0x2c: {  	s25 =	sadd.s32 $0x2500, s8;
	[smem:$0x7DC] =	sst s24  }
0x2d: {  	s26 =	sadd.s32 $0x2300, s8;
	[smem:$0x7DD] =	sst s25  }
0x2e: {  	s29 =	sadd.s32 $0x2A00, s8;
	[smem:$0x7DE] =	sst s26  }
0x2f: {  	s31 =	sadd.s32 $0x2800, s8;
	[smem:$0x7E0] =	sst s29  }
0x30: {  	s10 =	sadd.s32 $0x1E500, s8;
	[smem:$0x7E2] =	sst s31  }
0x31: {  	s12 =	sadd.s32 $0x1E600, s8;
	[smem:$0x7E9] =	sst s10  }
0x32: {  	s13 =	sadd.s32 $0x1EA00, s8;
	[smem:$0x7EB] =	sst s12  }
0x33: {  	s14 =	sadd.s32 $0x1EF00, s8;
	[smem:$0x7EC] =	sst s13  }
0x34: {  	s28 =	sadd.s32 $0x1F800, s8;
	[smem:$0x7ED] =	sst s14  }
0x35: {  	s30 =	sadd.s32 $0x1FC00, s8;
	[smem:$0x7FA] =	sst s28  }
0x36: {  	s9 =	sadd.s32 s3, s6;
	s6 =	sor.u32 $0x1F000, s6;
	[smem:$0x7FC] =	sst s30  }
0x37: {  	s0 =	sadd.s32 s0, s6;
	[dreg:$0x14] =	wrdreg s9  }
0x38: {  	s11 =	sadd.s32 s3, s6;
	[dreg:$0x16] =	wrdreg s0  }
0x39: {  	s3 =	sadd.s32 $0x2000, s8;
	[dreg:$0x18] =	wrdreg s11  }
0x3a: {  	s6 =	sadd.s32 $0x1E400, s8;
	[smem:$0x7E4] =	sst s3  }
0x3b: {  	s15 =	sadd.s32 $0x1E800, s8;
	[smem:$0x7E7] =	sst s6  }
0x3c: {  	s16 =	sadd.s32 $0x1ED00, s8;
	[smem:$0x7EE] =	sst s15  }
0x3d: {  	s17 =	sadd.s32 $0x1EC00, s8;
	[smem:$0x7EF] =	sst s16  }
0x3e: {  	s18 =	sadd.s32 $0x1C000, s9;
	[smem:$0x7F0] =	sst s17  }
0x3f: {  	s19 =	sadd.s32 $0x1F700, s8;
	[smem:$0x7F1] =	sst s18  }
0x40: {  	s20 =	sadd.s32 $0x1F400, s8;
	[smem:$0x7F2] =	sst s19  }
0x41: {  	s1 =	simm.s32 $0x11000;
	s21 =	sadd.s32 $0x1F200, s8;
	[smem:$0x7F3] =	sst s20  }
0x42: {  	s4 =	simm.s32 $0x12000;
	s22 =	sadd.s32 $0x1F500, s8;
	[smem:$0x7F4] =	sst s21  }
0x43: {  	s5 =	simm.s32 $0x12800;
	s23 =	sadd.s32 $0x1F300, s8;
	[smem:$0x7F5] =	sst s22  }
0x44: {  	s7 =	simm.s32 $0x13000;
	s24 =	sadd.s32 $0x1F600, s8;
	[smem:$0x7F6] =	sst s23  }
0x45: {  	s25 =	sadd.s32 $0x1FA00, s8;
	s26 =	sadd.s32 $0x1FF00, s8;
	[smem:$0x7F7] =	sst s24  }
0x46: {  	s29 =	sadd.s32 $0x1FD00, s8;
	s31 =	sadd.s32 $0x1D000, s9;
	[smem:$0x7F8] =	sst s25  }
0x47: {  	s9 =	simm.s32 $0x14800;
	s10 =	simm.s32 $0x15800;
	[smem:$0x7F9] =	sst s26  }
0x48: {  	s12 =	simm.s32 $0x17800;
	s13 =	simm.s32 $0x0;
	[smem:$0x7FB] =	sst s29  }
0x49: {  	s11 =	sadd.s32 $0x1E300, s8;
	[smem:$0x7FD] =	sst s31;
	s23 =	simm.s32 $0x8000  }
0x4a: {  	s6 =	simm.s32 $0x10000;
	s0 =	simm.s32 $0x10800;
	s3 =	simm.s32 $0x11800  }
0x4b: {  	s8 =	simm.s32 $0x14000;
	s16 =	simm.s32 $0x1;
	s17 =	simm.s32 $0x4  }
0x4c: {  	s19 =	simm.s32 $0x2;
	s20 =	simm.s32 $0x5;
	s21 =	simm.s32 $0x3  }
0x4d: {  	s22 =	simm.s32 $0x6;
	[smem:$0x7EA] =	sst s11;
	s11 =	simm.s32 $0x16800  }
.LBB2_1:
0x4e: {  	[smem:$0x7D6] =	sst s13  }
0x4f: {  	s24 =	rddreg [dreg:$0x6]  }
0x50: {  	s15 =	rddreg [dreg:$0x7]  }
0x51: {  	[tilespmem:s2], [sflag:$0x1] =	stream.linear.gather [hbm4b:s24+s2], $0x800, $0x38;
	[tilespmem:$0x18000] =	vst v63  }
0x52: {  	s26 =	simm.s32 $0x800;
	s18 =	rddreg [dreg:$0x8]  }
0x53: {  	[tilespmem:s26], [sflag:$0x1] =	stream.linear.gather [hbm4b:s15+s2], $0x800, $0x38;
	[tilespmem:$0x18000] =	vst v63  }
0x54: {  	s28 =	simm.s32 $0x1000;
	s25 =	rddreg [dreg:$0x9]  }
0x55: {  	[tilespmem:s28], [sflag:$0x1] =	stream.linear.gather [hbm4b:s18+s2], $0x800, $0x38;
	[tilespmem:$0x18000] =	vst v63  }
0x56: {  	s30 =	simm.s32 $0x1800;
	s13 =	rddreg [dreg:$0xa]  }
0x57: {  	[tilespmem:s30], [sflag:$0x1] =	stream.linear.gather [hbm4b:s25+s2], $0x800, $0x38;
	[tilespmem:$0x18000] =	vst v63  }
0x58: {  	s14 =	simm.s32 $0x2000;
	s15 =	rddreg [dreg:$0xb]  }
0x59: {  	[tilespmem:s14], [sflag:$0x1] =	stream.linear.gather [hbm4b:s13+s2], $0x800, $0x38;
	[tilespmem:$0x18000] =	vst v63  }
0x5a: {  	s18 =	simm.s32 $0x2800;
	s25 =	rddreg [dreg:$0xc]  }
0x5b: {  	[tilespmem:s18], [sflag:$0x1] =	stream.linear.gather [hbm4b:s15+s2], $0x800, $0x38;
	[tilespmem:$0x18000] =	vst v63  }
0x5c: {  	s30 =	simm.s32 $0x3000;
	s13 =	rddreg [dreg:$0xd]  }
0x5d: {  	[tilespmem:s30], [sflag:$0x1] =	stream.linear.gather [hbm4b:s25+s2], $0x1000, $0x38;
	[tilespmem:$0x18000] =	vst v63  }
0x5e: {  	s14 =	simm.s32 $0x4000;
	s15 =	rddreg [dreg:$0xe]  }
0x5f: {  	[tilespmem:s14], [sflag:$0x1] =	stream.linear.gather [hbm4b:s13+s2], $0x800, $0x38;
	[tilespmem:$0x18000] =	vst v63  }
0x60: {  	s18 =	simm.s32 $0x4800;
	s25 =	rddreg [dreg:$0xf]  }
0x61: {  	[tilespmem:s18], [sflag:$0x1] =	stream.linear.gather [hbm4b:s15+s2], $0x1000, $0x38;
	[tilespmem:$0x18000] =	vst v63  }
0x62: {  	s30 =	simm.s32 $0x5800;
	s14 =	rddreg [dreg:$0x5]  }
0x63: {  	[tilespmem:s30], [sflag:$0x1] =	stream.linear.gather [hbm4b:s25+s2], $0x1000, $0x38;
	[tilespmem:$0x18000] =	vst v63  }
0x64: {  	s13 =	rddreg [dreg:$0x12];
	s15 =	simm.s32 $0x6800  }
0x65: {  	[tilespmem:s15], [sflag:$0x1] =	stream.linear.gather [hbm4b:s14+s2], $0x1000, $0x38;
	[tilespmem:$0x18000] =	vst v63  }
0x66: {  	s18 =	rddreg [dreg:$0x10];
	s25 =	simm.s32 $0x7800  }
0x67: {  	[tilespmem:s25], [sflag:$0x1] =	stream.linear.gather [hbm4b:s18+s2], $0x800, $0x38;
	[tilespmem:$0x18000] =	vst v63  }
0x68: {  	s30 =	rddreg [dreg:$0x11]  }
0x69: {  	[tilespmem:s23], [sflag:$0x2] =	stream.linear.gather [hbm4b:s30+s2], $0x800, $0x38;
	[tilespmem:$0x18000] =	vst v63  }
0x6a: {  	s14 =	rddreg [dreg:$0x13];
	s18 =	simm.s32 $0x8800  }
0x6b: {  	[tilespmem:s18], [sflag:$0x2] =	stream.linear.gather [hbm4b:s13+s2], $0x800, $0x38;
	[tilespmem:$0x18000] =	vst v63  }
0x6c: {  	s15 =	simm.s32 $0x9000;
	s25 =	rddreg [dreg:$0x19]  }
0x6d: {  	[tilespmem:s15], [sflag:$0x2] =	stream.linear.gather [hbm4b:s14+s2], $0x800, $0x38;
	[tilespmem:$0x18000] =	vst v63  }
0x6e: {  	s30 =	simm.s32 $0x9800;
	s13 =	rddreg [dreg:$0x1a]  }
0x6f: {  	[tilespmem:s30], [sflag:$0x2] =	stream.linear.gather [hbm4b:s25+s2], $0x800, $0x38;
	[tilespmem:$0x18000] =	vst v63  }
0x70: {  	s14 =	simm.s32 $0xA000;
	s15 =	rddreg [dreg:$0x1c]  }
0x71: {  	[tilespmem:s14], [sflag:$0x2] =	stream.linear.gather [hbm4b:s13+s2], $0x800, $0x38;
	[tilespmem:$0x18000] =	vst v63  }
0x72: {  	s25 =	rddreg [dreg:$0x1d];
	s14 =	simm.s32 $0xA800  }
0x73: {  	[tilespmem:s14], [sflag:$0x2] =	stream.linear.gather [hbm4b:s15+s2], $0x800, $0x38;
	[tilespmem:$0x18000] =	vst v63  }
0x74: {  	s30 =	rddreg [dreg:$0x1e];
	s15 =	simm.s32 $0xB000  }
0x75: {  	[tilespmem:s15], [sflag:$0x2] =	stream.linear.gather [hbm4b:s25+s2], $0x1000, $0x38;
	[tilespmem:$0x18000] =	vst v63  }
0x76: {  	s29 =	simm.s32 $0xC000;
	s13 =	rddreg [dreg:$0x1f]  }
0x77: {  	[tilespmem:s29], [sflag:$0x2] =	stream.linear.gather [hbm4b:s30+s2], $0x800, $0x38;
	[tilespmem:$0x18000] =	vst v63  }
0x78: {  	s31 =	simm.s32 $0xC800;
	s25 =	sld [smem:$0x7D7]  }
0x79: {  	[tilespmem:s31], [sflag:$0x2] =	stream.linear.gather [hbm4b:s13+s2], $0x1000, $0x38;
	[tilespmem:$0x18000] =	vst v63  }
0x7a: {  	s30 =	simm.s32 $0xD800;
	s13 =	sld [smem:$0x7D8]  }
0x7b: {  	[tilespmem:s30], [sflag:$0x2] =	stream.linear.gather [hbm4b:s25+s2], $0x1000, $0x38;
	[tilespmem:$0x18000] =	vst v63  }
0x7c: {  	s25 =	simm.s32 $0xE800  }
0x7d: {  	[tilespmem:s25], [sflag:$0x2] =	stream.linear.gather [hbm4b:s13+s2], $0x1000, $0x38;
	[tilespmem:$0x18000] =	vst v63  }
0x7e: {  	s13 =	sld [smem:$0x7D9];
	_ =	sdelay $0x1  }
0x7f: {  	s25 =	simm.s32 $0xF800  }
0x80: {  	[tilespmem:s25], [sflag:$0x2] =	stream.linear.gather [hbm4b:s13+s2], $0x800, $0x38;
	[tilespmem:$0x18000] =	vst v63  }
0x81: {  	s13 =	sld [smem:$0x7DA];
	_ =	sdelay $0x1  }
0x82: {  	s25 =	sld [smem:$0x7DB]  }
0x83: {  	[tilespmem:s6], [sflag:$0x3] =	stream.linear.gather [hbm4b:s13+s2], $0x800, $0x38;
	[tilespmem:$0x18000] =	vst v63  }
0x84: {  	_ = 	snop  }
0x85: {  	[tilespmem:s0], [sflag:$0x3] =	stream.linear.gather [hbm4b:s25+s2], $0x800, $0x38;
	[tilespmem:$0x18000] =	vst v63  }
0x86: {  	s0 =	sld [smem:$0x7DC];
	_ =	sdelay $0x2  }
0x87: {  	[tilespmem:s1], [sflag:$0x3] =	stream.linear.gather [hbm4b:s0+s2], $0x800, $0x38;
	[tilespmem:$0x18000] =	vst v63  }
0x88: {  	s1 =	sld [smem:$0x7DD];
	_ =	sdelay $0x1  }
0x89: {  	s13 =	sld [smem:$0x7DE]  }
0x8a: {  	[tilespmem:s3], [sflag:$0x3] =	stream.linear.gather [hbm4b:s1+s2], $0x800, $0x38;
	[tilespmem:$0x18000] =	vst v63  }
0x8b: {  	s25 =	sld [smem:$0x7DF]  }
0x8c: {  	[tilespmem:s4], [sflag:$0x3] =	stream.linear.gather [hbm4b:s13+s2], $0x800, $0x38;
	[tilespmem:$0x18000] =	vst v63  }
0x8d: {  	s0 =	sld [smem:$0x7E0]  }
0x8e: {  	[tilespmem:s5], [sflag:$0x3] =	stream.linear.gather [hbm4b:s25+s2], $0x800, $0x38;
	[tilespmem:$0x18000] =	vst v63  }
0x8f: {  	s1 =	sld [smem:$0x7E1]  }
0x90: {  	[tilespmem:s7], [sflag:$0x3] =	stream.linear.gather [hbm4b:s0+s2], $0x1000, $0x38;
	[tilespmem:$0x18000] =	vst v63  }
0x91: {  	s3 =	sld [smem:$0x7E2]  }
0x92: {  	[tilespmem:s8], [sflag:$0x3] =	stream.linear.gather [hbm4b:s1+s2], $0x800, $0x38;
	[tilespmem:$0x18000] =	vst v63  }
0x93: {  	s4 =	sld [smem:$0x7E3]  }
0x94: {  	[tilespmem:s9], [sflag:$0x3] =	stream.linear.gather [hbm4b:s3+s2], $0x1000, $0x38;
	[tilespmem:$0x18000] =	vst v63  }
0x95: {  	s5 =	sld [smem:$0x7E4]  }
0x96: {  	[tilespmem:s10], [sflag:$0x3] =	stream.linear.gather [hbm4b:s4+s2], $0x1000, $0x38;
	[tilespmem:$0x18000] =	vst v63  }
0x97: {  	s7 =	sld [smem:$0x7E5]  }
0x98: {  	[tilespmem:s11], [sflag:$0x3] =	stream.linear.gather [hbm4b:s5+s2], $0x1000, $0x38;
	[tilespmem:$0x18000] =	vst v63  }
0x99: {  	_ = 	snop  }
0x9a: {  	[tilespmem:s12], [sflag:$0x3] =	stream.linear.gather [hbm4b:s7+s2], $0x800, $0x38;
	[tilespmem:$0x18000] =	vst v63  }
0x9b: {  	_ =	swait.ge [sflag:s16], $0x8000  }
0x9c: {  	[sflag:s16] =	ssyncset.done $0x0  }
0x9d: {  	s8 =	rddreg [dreg:$0x14];
	[sflag:s16] =	ssyncadd.s32 $0xFFFF8000  }
0x9e: {  	[hbm4b:s8+s2] =	stream.linear.scatter [tilespmem:s2], [sflag:$0x4], $0x8000, $0x38;
	[tilespmem:$0x18000] =	vst v63  }
0x9f: {  	_ =	swait.ge [sflag:s17], $0x8000  }
0xa0: {  	s9 =	rddreg [dreg:$0x3]  }
0xa1: {  	[sflag:s17] =	ssyncset.done $0x0;
	s24 =	sadd.s32 $0x0, s9  }
0xa2: {  	[sflag:s17] =	ssyncadd.s32 $0xFFFF8000;
	s25 =	sadd.s32 $0x3700, s24  }
0xa3: {  	[tilespmem:s2], [sflag:$0x1] =	stream.linear.gather [hbm4b:s25+s2], $0x800, $0x38;
	[tilespmem:$0x18000] =	vst v63  }
0xa4: {  	s10 =	sadd.s32 $0x3400, s24  }
0xa5: {  	[tilespmem:s26], [sflag:$0x1] =	stream.linear.gather [hbm4b:s10+s2], $0x800, $0x38;
	[tilespmem:$0x18000] =	vst v63  }
0xa6: {  	s11 =	sadd.s32 $0x3200, s24  }
0xa7: {  	[tilespmem:s28], [sflag:$0x1] =	stream.linear.gather [hbm4b:s11+s2], $0x800, $0x38;
	[tilespmem:$0x18000] =	vst v63  }
0xa8: {  	s13 =	simm.s32 $0x1800;
	s12 =	sadd.s32 $0x3500, s24  }
0xa9: {  	[tilespmem:s13], [sflag:$0x1] =	stream.linear.gather [hbm4b:s12+s2], $0x800, $0x38;
	[tilespmem:$0x18000] =	vst v63  }
0xaa: {  	s26 =	sadd.s32 $0x3300, s24;
	s28 =	simm.s32 $0x2000  }
0xab: {  	[tilespmem:s28], [sflag:$0x1] =	stream.linear.gather [hbm4b:s26+s2], $0x800, $0x38;
	[tilespmem:$0x18000] =	vst v63  }
0xac: {  	s1 =	simm.s32 $0x2800;
	s0 =	sadd.s32 $0x3600, s24  }
0xad: {  	[tilespmem:s1], [sflag:$0x1] =	stream.linear.gather [hbm4b:s0+s2], $0x800, $0x38;
	[tilespmem:$0x18000] =	vst v63  }
0xae: {  	s4 =	simm.s32 $0x3000;
	s3 =	sadd.s32 $0x3A00, s24  }
0xaf: {  	[tilespmem:s4], [sflag:$0x1] =	stream.linear.gather [hbm4b:s3+s2], $0x1000, $0x38;
	[tilespmem:$0x18000] =	vst v63  }
0xb0: {  	s7 =	simm.s32 $0x4000;
	s5 =	sadd.s32 $0x3F00, s24  }
0xb1: {  	[tilespmem:s7], [sflag:$0x1] =	stream.linear.gather [hbm4b:s5+s2], $0x800, $0x38;
	[tilespmem:$0x18000] =	vst v63  }
0xb2: {  	s9 =	simm.s32 $0x4800;
	s8 =	sadd.s32 $0x3800, s24  }
0xb3: {  	[tilespmem:s9], [sflag:$0x1] =	stream.linear.gather [hbm4b:s8+s2], $0x1000, $0x38;
	[tilespmem:$0x18000] =	vst v63  }
0xb4: {  	s10 =	sadd.s32 $0x3D00, s24;
	s11 =	simm.s32 $0x5800  }
0xb5: {  	[tilespmem:s11], [sflag:$0x1] =	stream.linear.gather [hbm4b:s10+s2], $0x1000, $0x38;
	[tilespmem:$0x18000] =	vst v63  }
0xb6: {  	s12 =	sadd.s32 $0x3000, s24;
	s13 =	simm.s32 $0x6800  }
0xb7: {  	[tilespmem:s13], [sflag:$0x1] =	stream.linear.gather [hbm4b:s12+s2], $0x1000, $0x38;
	[tilespmem:$0x18000] =	vst v63  }
0xb8: {  	s26 =	sadd.s32 $0x3C00, s24;
	s28 =	simm.s32 $0x7800  }
0xb9: {  	[tilespmem:s28], [sflag:$0x1] =	stream.linear.gather [hbm4b:s26+s2], $0x800, $0x38;
	[tilespmem:$0x18000] =	vst v63  }
0xba: {  	_ =	swait.ge [sflag:s19], $0x8000  }
0xbb: {  	s0 =	rddreg [dreg:$0x4]  }
0xbc: {  	[sflag:s19] =	ssyncset.done $0x0;
	s25 =	sadd.s32 $0x0, s0  }
0xbd: {  	[sflag:s19] =	ssyncadd.s32 $0xFFFF8000;
	s1 =	sadd.s32 $0x1000, s25  }
0xbe: {  	[hbm4b:s1+s2] =	stream.linear.scatter [tilespmem:s23], [sflag:$0x5], $0x8000, $0x38;
	[tilespmem:$0x18000] =	vst v63  }
0xbf: {  	_ =	swait.ge [sflag:s20], $0x8000  }
0xc0: {  	[sflag:s20] =	ssyncset.done $0x0  }
0xc1: {  	s3 =	sadd.s32 $0x4700, s24;
	[sflag:s20] =	ssyncadd.s32 $0xFFFF8000  }
0xc2: {  	[tilespmem:s23], [sflag:$0x2] =	stream.linear.gather [hbm4b:s3+s2], $0x800, $0x38;
	[tilespmem:$0x18000] =	vst v63  }
0xc3: {  	s4 =	sadd.s32 $0x4400, s24  }
0xc4: {  	[tilespmem:s18], [sflag:$0x2] =	stream.linear.gather [hbm4b:s4+s2], $0x800, $0x38;
	[tilespmem:$0x18000] =	vst v63  }
0xc5: {  	s5 =	sadd.s32 $0x4200, s24;
	s8 =	simm.s32 $0x9000  }
0xc6: {  	[tilespmem:s8], [sflag:$0x2] =	stream.linear.gather [hbm4b:s5+s2], $0x800, $0x38;
	[tilespmem:$0x18000] =	vst v63  }
0xc7: {  	s9 =	sadd.s32 $0x4500, s24;
	s11 =	simm.s32 $0x9800  }
0xc8: {  	[tilespmem:s11], [sflag:$0x2] =	stream.linear.gather [hbm4b:s9+s2], $0x800, $0x38;
	[tilespmem:$0x18000] =	vst v63  }
0xc9: {  	s13 =	sadd.s32 $0x4300, s24;
	s28 =	simm.s32 $0xA000  }
0xca: {  	[tilespmem:s28], [sflag:$0x2] =	stream.linear.gather [hbm4b:s13+s2], $0x800, $0x38;
	[tilespmem:$0x18000] =	vst v63  }
0xcb: {  	s1 =	sadd.s32 $0x4600, s24  }
0xcc: {  	[tilespmem:s14], [sflag:$0x2] =	stream.linear.gather [hbm4b:s1+s2], $0x800, $0x38;
	[tilespmem:$0x18000] =	vst v63  }
0xcd: {  	s3 =	sadd.s32 $0x4A00, s24  }
0xce: {  	[tilespmem:s15], [sflag:$0x2] =	stream.linear.gather [hbm4b:s3+s2], $0x1000, $0x38;
	[tilespmem:$0x18000] =	vst v63  }
0xcf: {  	s4 =	sadd.s32 $0x4F00, s24  }
0xd0: {  	[tilespmem:s29], [sflag:$0x2] =	stream.linear.gather [hbm4b:s4+s2], $0x800, $0x38;
	[tilespmem:$0x18000] =	vst v63  }
0xd1: {  	s5 =	sadd.s32 $0x4800, s24  }
0xd2: {  	[tilespmem:s31], [sflag:$0x2] =	stream.linear.gather [hbm4b:s5+s2], $0x1000, $0x38;
	[tilespmem:$0x18000] =	vst v63  }
0xd3: {  	s8 =	sadd.s32 $0x4D00, s24  }
0xd4: {  	[tilespmem:s30], [sflag:$0x2] =	stream.linear.gather [hbm4b:s8+s2], $0x1000, $0x38;
	[tilespmem:$0x18000] =	vst v63  }
0xd5: {  	s9 =	sadd.s32 $0x4000, s24;
	s28 =	simm.s32 $0xE800  }
0xd6: {  	[tilespmem:s28], [sflag:$0x2] =	stream.linear.gather [hbm4b:s9+s2], $0x1000, $0x38;
	[tilespmem:$0x18000] =	vst v63  }
0xd7: {  	s26 =	sadd.s32 $0x4C00, s24;
	s30 =	simm.s32 $0xF800  }
0xd8: {  	[tilespmem:s30], [sflag:$0x2] =	stream.linear.gather [hbm4b:s26+s2], $0x800, $0x38;
	[tilespmem:$0x18000] =	vst v63  }
0xd9: {  	_ =	swait.ge [sflag:s21], $0x8000  }
0xda: {  	[sflag:s21] =	ssyncset.done $0x0  }
0xdb: {  	s28 =	sadd.s32 $0x2000, s25;
	[sflag:s21] =	ssyncadd.s32 $0xFFFF8000  }
0xdc: {  	[hbm4b:s28+s2] =	stream.linear.scatter [tilespmem:s6], [sflag:$0x6], $0x8000, $0x38;
	[tilespmem:$0x18000] =	vst v63  }
0xdd: {  	_ =	swait.ge [sflag:s22], $0x8000  }
0xde: {  	[sflag:s22] =	ssyncset.done $0x0  }
0xdf: {  	s30 =	sadd.s32 $0x5700, s24;
	[sflag:s22] =	ssyncadd.s32 $0xFFFF8000  }
0xe0: {  	[tilespmem:s6], [sflag:$0x3] =	stream.linear.gather [hbm4b:s30+s2], $0x800, $0x38;
	[tilespmem:$0x18000] =	vst v63  }
0xe1: {  	s4 =	simm.s32 $0x10800;
	s28 =	sadd.s32 $0x5400, s24  }
0xe2: {  	[tilespmem:s4], [sflag:$0x3] =	stream.linear.gather [hbm4b:s28+s2], $0x800, $0x38;
	[tilespmem:$0x18000] =	vst v63  }
0xe3: {  	s5 =	simm.s32 $0x11000;
	s30 =	sadd.s32 $0x5200, s24  }
0xe4: {  	[tilespmem:s5], [sflag:$0x3] =	stream.linear.gather [hbm4b:s30+s2], $0x800, $0x38;
	[tilespmem:$0x18000] =	vst v63  }
0xe5: {  	s7 =	simm.s32 $0x11800;
	s28 =	sadd.s32 $0x5500, s24  }
0xe6: {  	[tilespmem:s7], [sflag:$0x3] =	stream.linear.gather [hbm4b:s28+s2], $0x800, $0x38;
	[tilespmem:$0x18000] =	vst v63  }
0xe7: {  	s8 =	simm.s32 $0x12000;
	s30 =	sadd.s32 $0x5300, s24  }
0xe8: {  	[tilespmem:s8], [sflag:$0x3] =	stream.linear.gather [hbm4b:s30+s2], $0x800, $0x38;
	[tilespmem:$0x18000] =	vst v63  }
0xe9: {  	s9 =	simm.s32 $0x12800;
	s28 =	sadd.s32 $0x5600, s24  }
0xea: {  	[tilespmem:s9], [sflag:$0x3] =	stream.linear.gather [hbm4b:s28+s2], $0x800, $0x38;
	[tilespmem:$0x18000] =	vst v63  }
0xeb: {  	s10 =	simm.s32 $0x13000;
	s30 =	sadd.s32 $0x5A00, s24  }
0xec: {  	[tilespmem:s10], [sflag:$0x3] =	stream.linear.gather [hbm4b:s30+s2], $0x1000, $0x38;
	[tilespmem:$0x18000] =	vst v63  }
0xed: {  	s11 =	simm.s32 $0x14000;
	s28 =	sadd.s32 $0x5F00, s24  }
0xee: {  	[tilespmem:s11], [sflag:$0x3] =	stream.linear.gather [hbm4b:s28+s2], $0x800, $0x38;
	[tilespmem:$0x18000] =	vst v63  }
0xef: {  	s3 =	simm.s32 $0x14800;
	s30 =	sadd.s32 $0x5800, s24  }
0xf0: {  	[tilespmem:s3], [sflag:$0x3] =	stream.linear.gather [hbm4b:s30+s2], $0x1000, $0x38;
	[tilespmem:$0x18000] =	vst v63  }
0xf1: {  	s12 =	simm.s32 $0x15800;
	s28 =	sadd.s32 $0x5D00, s24  }
0xf2: {  	[tilespmem:s12], [sflag:$0x3] =	stream.linear.gather [hbm4b:s28+s2], $0x1000, $0x38;
	[tilespmem:$0x18000] =	vst v63  }
0xf3: {  	s0 =	simm.s32 $0xE800;
	s13 =	simm.s32 $0x16800;
	s30 =	sadd.s32 $0x5000, s24  }
0xf4: {  	[tilespmem:s13], [sflag:$0x3] =	stream.linear.gather [hbm4b:s30+s2], $0x1000, $0x38;
	[tilespmem:$0x18000] =	vst v63  }
0xf5: {  	s18 =	simm.s32 $0x17800;
	s14 =	simm.s32 $0xB000;
	s24 =	sadd.s32 $0x5C00, s24  }
0xf6: {  	[tilespmem:s18], [sflag:$0x3] =	stream.linear.gather [hbm4b:s24+s2], $0x800, $0x38;
	[tilespmem:$0x18000] =	vst v63  }
0xf7: {  	s1 =	simm.s32 $0xF800;
	s15 =	simm.s32 $0xC000;
	_ =	swait.ge [sflag:s16], $0x8000  }
0xf8: {  	s29 =	simm.s32 $0xC800;
	s31 =	simm.s32 $0xD800;
	[sflag:s16] =	ssyncset.done $0x0  }
0xf9: {  	s25 =	sadd.s32 $0x3000, s25;
	s24 =	simm.s32 $0x3000;
	[sflag:s16] =	ssyncadd.s32 $0xFFFF8000  }
.LBB2_2:
0xfa: {  	[hbm4b:s25+s2] =	stream.linear.scatter [tilespmem:s2], [sflag:$0x4], $0x8000, $0x38;
	[tilespmem:$0x18000] =	vst v63  }
0xfb: {  	_ =	swait.ge [sflag:s17], $0x8000  }
0xfc: {  	s26 =	smov.u32 s24;
	s28 =	rddreg [dreg:$0x3]  }
0xfd: {  	[sflag:s17] =	ssyncset.done $0x0;
	s25 =	sadd.s32 s26, s28  }
0xfe: {  	[sflag:s17] =	ssyncadd.s32 $0xFFFF8000;
	s28 =	sadd.s32 $0x3700, s25  }
0xff: {  	[tilespmem:s2], [sflag:$0x1] =	stream.linear.gather [hbm4b:s28+s2], $0x800, $0x38;
	[tilespmem:$0x18000] =	vst v63  }
0x100: {  	s30 =	simm.s32 $0x800;
	s28 =	sadd.s32 $0x3400, s25  }
0x101: {  	[tilespmem:s30], [sflag:$0x1] =	stream.linear.gather [hbm4b:s28+s2], $0x800, $0x38;
	[tilespmem:$0x18000] =	vst v63  }
0x102: {  	s28 =	sadd.s32 $0x3200, s25;
	s30 =	simm.s32 $0x1000  }
0x103: {  	[tilespmem:s30], [sflag:$0x1] =	stream.linear.gather [hbm4b:s28+s2], $0x800, $0x38;
	[tilespmem:$0x18000] =	vst v63  }
0x104: {  	s28 =	sadd.s32 $0x3500, s25;
	s30 =	simm.s32 $0x1800  }
0x105: {  	[tilespmem:s30], [sflag:$0x1] =	stream.linear.gather [hbm4b:s28+s2], $0x800, $0x38;
	[tilespmem:$0x18000] =	vst v63  }
0x106: {  	s28 =	sadd.s32 $0x3300, s25;
	s30 =	simm.s32 $0x2000  }
0x107: {  	[tilespmem:s30], [sflag:$0x1] =	stream.linear.gather [hbm4b:s28+s2], $0x800, $0x38;
	[tilespmem:$0x18000] =	vst v63  }
0x108: {  	s28 =	sadd.s32 $0x3600, s25;
	s30 =	simm.s32 $0x2800  }
0x109: {  	[tilespmem:s30], [sflag:$0x1] =	stream.linear.gather [hbm4b:s28+s2], $0x800, $0x38;
	[tilespmem:$0x18000] =	vst v63  }
0x10a: {  	s28 =	sadd.s32 $0x3A00, s25;
	s30 =	simm.s32 $0x3000  }
0x10b: {  	[tilespmem:s30], [sflag:$0x1] =	stream.linear.gather [hbm4b:s28+s2], $0x1000, $0x38;
	[tilespmem:$0x18000] =	vst v63  }
0x10c: {  	s28 =	sadd.s32 $0x3F00, s25;
	s30 =	simm.s32 $0x4000  }
0x10d: {  	[tilespmem:s30], [sflag:$0x1] =	stream.linear.gather [hbm4b:s28+s2], $0x800, $0x38;
	[tilespmem:$0x18000] =	vst v63  }
0x10e: {  	s28 =	sadd.s32 $0x3800, s25;
	s30 =	simm.s32 $0x4800  }
0x10f: {  	[tilespmem:s30], [sflag:$0x1] =	stream.linear.gather [hbm4b:s28+s2], $0x1000, $0x38;
	[tilespmem:$0x18000] =	vst v63  }
0x110: {  	s28 =	sadd.s32 $0x3D00, s25;
	s30 =	simm.s32 $0x5800  }
0x111: {  	[tilespmem:s30], [sflag:$0x1] =	stream.linear.gather [hbm4b:s28+s2], $0x1000, $0x38;
	[tilespmem:$0x18000] =	vst v63  }
0x112: {  	s28 =	sadd.s32 $0x3000, s25;
	s30 =	simm.s32 $0x6800  }
0x113: {  	[tilespmem:s30], [sflag:$0x1] =	stream.linear.gather [hbm4b:s28+s2], $0x1000, $0x38;
	[tilespmem:$0x18000] =	vst v63  }
0x114: {  	s28 =	sadd.s32 $0x3C00, s25;
	s30 =	simm.s32 $0x7800  }
0x115: {  	[tilespmem:s30], [sflag:$0x1] =	stream.linear.gather [hbm4b:s28+s2], $0x800, $0x38;
	[tilespmem:$0x18000] =	vst v63  }
0x116: {  	_ =	swait.ge [sflag:s19], $0x8000  }
0x117: {  	s30 =	rddreg [dreg:$0x4]  }
0x118: {  	[sflag:s19] =	ssyncset.done $0x0;
	s26 =	sadd.s32 s26, s30  }
0x119: {  	[sflag:s19] =	ssyncadd.s32 $0xFFFF8000;
	s28 =	sadd.s32 $0x1000, s26  }
0x11a: {  	[hbm4b:s28+s2] =	stream.linear.scatter [tilespmem:s23], [sflag:$0x5], $0x8000, $0x38;
	[tilespmem:$0x18000] =	vst v63  }
0x11b: {  	_ =	swait.ge [sflag:s20], $0x8000  }
0x11c: {  	[sflag:s20] =	ssyncset.done $0x0  }
0x11d: {  	s30 =	sadd.s32 $0x4700, s25;
	[sflag:s20] =	ssyncadd.s32 $0xFFFF8000  }
0x11e: {  	[tilespmem:s23], [sflag:$0x2] =	stream.linear.gather [hbm4b:s30+s2], $0x800, $0x38;
	[tilespmem:$0x18000] =	vst v63  }
0x11f: {  	s28 =	sadd.s32 $0x4400, s25;
	s30 =	simm.s32 $0x8800  }
0x120: {  	[tilespmem:s30], [sflag:$0x2] =	stream.linear.gather [hbm4b:s28+s2], $0x800, $0x38;
	[tilespmem:$0x18000] =	vst v63  }
0x121: {  	s28 =	sadd.s32 $0x4200, s25;
	s30 =	simm.s32 $0x9000  }
0x122: {  	[tilespmem:s30], [sflag:$0x2] =	stream.linear.gather [hbm4b:s28+s2], $0x800, $0x38;
	[tilespmem:$0x18000] =	vst v63  }
0x123: {  	s28 =	sadd.s32 $0x4500, s25;
	s30 =	simm.s32 $0x9800  }
0x124: {  	[tilespmem:s30], [sflag:$0x2] =	stream.linear.gather [hbm4b:s28+s2], $0x800, $0x38;
	[tilespmem:$0x18000] =	vst v63  }
0x125: {  	s28 =	sadd.s32 $0x4300, s25;
	s30 =	simm.s32 $0xA000  }
0x126: {  	[tilespmem:s30], [sflag:$0x2] =	stream.linear.gather [hbm4b:s28+s2], $0x800, $0x38;
	[tilespmem:$0x18000] =	vst v63  }
0x127: {  	s28 =	sadd.s32 $0x4600, s25;
	s30 =	simm.s32 $0xA800  }
0x128: {  	[tilespmem:s30], [sflag:$0x2] =	stream.linear.gather [hbm4b:s28+s2], $0x800, $0x38;
	[tilespmem:$0x18000] =	vst v63  }
0x129: {  	s30 =	sadd.s32 $0x4A00, s25  }
0x12a: {  	[tilespmem:s14], [sflag:$0x2] =	stream.linear.gather [hbm4b:s30+s2], $0x1000, $0x38;
	[tilespmem:$0x18000] =	vst v63  }
0x12b: {  	s30 =	sadd.s32 $0x4F00, s25  }
0x12c: {  	[tilespmem:s15], [sflag:$0x2] =	stream.linear.gather [hbm4b:s30+s2], $0x800, $0x38;
	[tilespmem:$0x18000] =	vst v63  }
0x12d: {  	s30 =	sadd.s32 $0x4800, s25  }
0x12e: {  	[tilespmem:s29], [sflag:$0x2] =	stream.linear.gather [hbm4b:s30+s2], $0x1000, $0x38;
	[tilespmem:$0x18000] =	vst v63  }
0x12f: {  	s30 =	sadd.s32 $0x4D00, s25  }
0x130: {  	[tilespmem:s31], [sflag:$0x2] =	stream.linear.gather [hbm4b:s30+s2], $0x1000, $0x38;
	[tilespmem:$0x18000] =	vst v63  }
0x131: {  	s30 =	sadd.s32 $0x4000, s25  }
0x132: {  	[tilespmem:s0], [sflag:$0x2] =	stream.linear.gather [hbm4b:s30+s2], $0x1000, $0x38;
	[tilespmem:$0x18000] =	vst v63  }
0x133: {  	s30 =	sadd.s32 $0x4C00, s25  }
0x134: {  	[tilespmem:s1], [sflag:$0x2] =	stream.linear.gather [hbm4b:s30+s2], $0x800, $0x38;
	[tilespmem:$0x18000] =	vst v63  }
0x135: {  	_ =	swait.ge [sflag:s21], $0x8000  }
0x136: {  	[sflag:s21] =	ssyncset.done $0x0  }
0x137: {  	s30 =	sadd.s32 $0x2000, s26;
	[sflag:s21] =	ssyncadd.s32 $0xFFFF8000  }
0x138: {  	[hbm4b:s30+s2] =	stream.linear.scatter [tilespmem:s6], [sflag:$0x6], $0x8000, $0x38;
	[tilespmem:$0x18000] =	vst v63  }
0x139: {  	_ =	swait.ge [sflag:s22], $0x8000  }
0x13a: {  	[sflag:s22] =	ssyncset.done $0x0  }
0x13b: {  	s30 =	sadd.s32 $0x5700, s25;
	[sflag:s22] =	ssyncadd.s32 $0xFFFF8000  }
0x13c: {  	[tilespmem:s6], [sflag:$0x3] =	stream.linear.gather [hbm4b:s30+s2], $0x800, $0x38;
	[tilespmem:$0x18000] =	vst v63  }
0x13d: {  	s30 =	sadd.s32 $0x5400, s25  }
0x13e: {  	[tilespmem:s4], [sflag:$0x3] =	stream.linear.gather [hbm4b:s30+s2], $0x800, $0x38;
	[tilespmem:$0x18000] =	vst v63  }
0x13f: {  	s30 =	sadd.s32 $0x5200, s25  }
0x140: {  	[tilespmem:s5], [sflag:$0x3] =	stream.linear.gather [hbm4b:s30+s2], $0x800, $0x38;
	[tilespmem:$0x18000] =	vst v63  }
0x141: {  	s30 =	sadd.s32 $0x5500, s25  }
0x142: {  	[tilespmem:s7], [sflag:$0x3] =	stream.linear.gather [hbm4b:s30+s2], $0x800, $0x38;
	[tilespmem:$0x18000] =	vst v63  }
0x143: {  	s30 =	sadd.s32 $0x5300, s25  }
0x144: {  	[tilespmem:s8], [sflag:$0x3] =	stream.linear.gather [hbm4b:s30+s2], $0x800, $0x38;
	[tilespmem:$0x18000] =	vst v63  }
0x145: {  	s30 =	sadd.s32 $0x5600, s25  }
0x146: {  	[tilespmem:s9], [sflag:$0x3] =	stream.linear.gather [hbm4b:s30+s2], $0x800, $0x38;
	[tilespmem:$0x18000] =	vst v63  }
0x147: {  	s30 =	sadd.s32 $0x5A00, s25  }
0x148: {  	[tilespmem:s10], [sflag:$0x3] =	stream.linear.gather [hbm4b:s30+s2], $0x1000, $0x38;
	[tilespmem:$0x18000] =	vst v63  }
0x149: {  	s30 =	sadd.s32 $0x5F00, s25  }
0x14a: {  	[tilespmem:s11], [sflag:$0x3] =	stream.linear.gather [hbm4b:s30+s2], $0x800, $0x38;
	[tilespmem:$0x18000] =	vst v63  }
0x14b: {  	s30 =	sadd.s32 $0x5800, s25  }
0x14c: {  	[tilespmem:s3], [sflag:$0x3] =	stream.linear.gather [hbm4b:s30+s2], $0x1000, $0x38;
	[tilespmem:$0x18000] =	vst v63  }
0x14d: {  	s30 =	sadd.s32 $0x5D00, s25  }
0x14e: {  	[tilespmem:s12], [sflag:$0x3] =	stream.linear.gather [hbm4b:s30+s2], $0x1000, $0x38;
	[tilespmem:$0x18000] =	vst v63  }
0x14f: {  	p0 =	sne.s32 s24, $0x18000;
	s30 =	sadd.s32 $0x5000, s25  }
0x150: {  	[tilespmem:s13], [sflag:$0x3] =	stream.linear.gather [hbm4b:s30+s2], $0x1000, $0x38;
	[tilespmem:$0x18000] =	vst v63  }
.Ltmp0:
0x151: {  	s25 =	sadd.s32 $0x5C00, s25;
	(pc) =	sbr.rel @p0 .LBB2_2-.Ltmp0, $4  }
0x152: {  	[tilespmem:s18], [sflag:$0x3] =	stream.linear.gather [hbm4b:s25+s2], $0x800, $0x38;
	[tilespmem:$0x18000] =	vst v63  }
0x153: {  	_ =	swait.ge [sflag:s16], $0x8000  }
0x154: {  	[sflag:s16] =	ssyncset.done $0x0  }
0x155: {  	s24 =	sadd.s32 $0x3000, s24;
	s25 =	sadd.s32 $0x3000, s26;
	[sflag:s16] =	ssyncadd.s32 $0xFFFF8000  }
0x156: {  	[hbm4b:s25+s2] =	stream.linear.scatter [tilespmem:s2], [sflag:$0x4], $0x8000, $0x38;
	[tilespmem:$0x18000] =	vst v63  }
0x157: {  	_ =	swait.ge [sflag:s17], $0x8000  }
0x158: {  	s24 =	sld [smem:$0x7E6]  }
0x159: {  	[sflag:s17] =	ssyncset.done $0x0  }
0x15a: {  	s9 =	sld [smem:$0x7E7];
	[sflag:s17] =	ssyncadd.s32 $0xFFFF8000  }
0x15b: {  	[tilespmem:s2], [sflag:$0x1] =	stream.linear.gather [hbm4b:s24+s2], $0x800, $0x38;
	[tilespmem:$0x18000] =	vst v63  }
0x15c: {  	s10 =	simm.s32 $0x800;
	s11 =	sld [smem:$0x7E8]  }
0x15d: {  	[tilespmem:s10], [sflag:$0x1] =	stream.linear.gather [hbm4b:s9+s2], $0x800, $0x38;
	[tilespmem:$0x18000] =	vst v63  }
0x15e: {  	s12 =	simm.s32 $0x1000;
	s13 =	sld [smem:$0x7E9]  }
0x15f: {  	[tilespmem:s12], [sflag:$0x1] =	stream.linear.gather [hbm4b:s11+s2], $0x800, $0x38;
	[tilespmem:$0x18000] =	vst v63  }
0x160: {  	s18 =	simm.s32 $0x1800;
	s25 =	sld [smem:$0x7EA]  }
0x161: {  	[tilespmem:s18], [sflag:$0x1] =	stream.linear.gather [hbm4b:s13+s2], $0x800, $0x38;
	[tilespmem:$0x18000] =	vst v63  }
0x162: {  	s26 =	simm.s32 $0x2000;
	s28 =	sld [smem:$0x7EB]  }
0x163: {  	[tilespmem:s26], [sflag:$0x1] =	stream.linear.gather [hbm4b:s25+s2], $0x800, $0x38;
	[tilespmem:$0x18000] =	vst v63  }
0x164: {  	s30 =	simm.s32 $0x2800;
	s3 =	sld [smem:$0x7EC]  }
0x165: {  	[tilespmem:s30], [sflag:$0x1] =	stream.linear.gather [hbm4b:s28+s2], $0x800, $0x38;
	[tilespmem:$0x18000] =	vst v63  }
0x166: {  	s4 =	simm.s32 $0x3000;
	s5 =	sld [smem:$0x7ED]  }
0x167: {  	[tilespmem:s4], [sflag:$0x1] =	stream.linear.gather [hbm4b:s3+s2], $0x1000, $0x38;
	[tilespmem:$0x18000] =	vst v63  }
0x168: {  	s7 =	simm.s32 $0x4000;
	s8 =	sld [smem:$0x7EE]  }
0x169: {  	[tilespmem:s7], [sflag:$0x1] =	stream.linear.gather [hbm4b:s5+s2], $0x800, $0x38;
	[tilespmem:$0x18000] =	vst v63  }
0x16a: {  	s9 =	simm.s32 $0x4800;
	s10 =	sld [smem:$0x7EF]  }
0x16b: {  	[tilespmem:s9], [sflag:$0x1] =	stream.linear.gather [hbm4b:s8+s2], $0x1000, $0x38;
	[tilespmem:$0x18000] =	vst v63  }
0x16c: {  	s11 =	simm.s32 $0x5800;
	s12 =	rddreg [dreg:$0x15]  }
0x16d: {  	[tilespmem:s11], [sflag:$0x1] =	stream.linear.gather [hbm4b:s10+s2], $0x1000, $0x38;
	[tilespmem:$0x18000] =	vst v63  }
0x16e: {  	s13 =	simm.s32 $0x6800;
	s18 =	sld [smem:$0x7F0]  }
0x16f: {  	[tilespmem:s13], [sflag:$0x1] =	stream.linear.gather [hbm4b:s12+s2], $0x1000, $0x38;
	[tilespmem:$0x18000] =	vst v63  }
0x170: {  	s25 =	simm.s32 $0x7800  }
0x171: {  	[tilespmem:s25], [sflag:$0x1] =	stream.linear.gather [hbm4b:s18+s2], $0x800, $0x38;
	[tilespmem:$0x18000] =	vst v63  }
0x172: {  	_ =	swait.ge [sflag:s19], $0x8000  }
0x173: {  	s26 =	sld [smem:$0x7F1]  }
0x174: {  	[sflag:s19] =	ssyncset.done $0x0  }
0x175: {  	[sflag:s19] =	ssyncadd.s32 $0xFFFF8000  }
0x176: {  	[hbm4b:s26+s2] =	stream.linear.scatter [tilespmem:s23], [sflag:$0x5], $0x8000, $0x38;
	[tilespmem:$0x18000] =	vst v63  }
0x177: {  	_ =	swait.ge [sflag:s20], $0x8000  }
0x178: {  	s28 =	sld [smem:$0x7F2]  }
0x179: {  	[sflag:s20] =	ssyncset.done $0x0  }
0x17a: {  	s30 =	sld [smem:$0x7F3];
	[sflag:s20] =	ssyncadd.s32 $0xFFFF8000  }
0x17b: {  	[tilespmem:s23], [sflag:$0x2] =	stream.linear.gather [hbm4b:s28+s2], $0x800, $0x38;
	[tilespmem:$0x18000] =	vst v63  }
0x17c: {  	s3 =	simm.s32 $0x8800;
	s5 =	sld [smem:$0x7F4]  }
0x17d: {  	[tilespmem:s3], [sflag:$0x2] =	stream.linear.gather [hbm4b:s30+s2], $0x800, $0x38;
	[tilespmem:$0x18000] =	vst v63  }
0x17e: {  	s7 =	sld [smem:$0x7F5];
	s3 =	simm.s32 $0x9000  }
0x17f: {  	[tilespmem:s3], [sflag:$0x2] =	stream.linear.gather [hbm4b:s5+s2], $0x800, $0x38;
	[tilespmem:$0x18000] =	vst v63  }
0x180: {  	s8 =	simm.s32 $0x9800;
	s9 =	sld [smem:$0x7F6]  }
0x181: {  	[tilespmem:s8], [sflag:$0x2] =	stream.linear.gather [hbm4b:s7+s2], $0x800, $0x38;
	[tilespmem:$0x18000] =	vst v63  }
0x182: {  	s10 =	simm.s32 $0xA000;
	s11 =	sld [smem:$0x7F7]  }
0x183: {  	[tilespmem:s10], [sflag:$0x2] =	stream.linear.gather [hbm4b:s9+s2], $0x800, $0x38;
	[tilespmem:$0x18000] =	vst v63  }
0x184: {  	s12 =	simm.s32 $0xA800;
	s13 =	sld [smem:$0x7F8]  }
0x185: {  	[tilespmem:s12], [sflag:$0x2] =	stream.linear.gather [hbm4b:s11+s2], $0x800, $0x38;
	[tilespmem:$0x18000] =	vst v63  }
0x186: {  	_ = 	snop  }
0x187: {  	[tilespmem:s14], [sflag:$0x2] =	stream.linear.gather [hbm4b:s13+s2], $0x1000, $0x38;
	[tilespmem:$0x18000] =	vst v63  }
0x188: {  	s14 =	sld [smem:$0x7F9];
	_ =	sdelay $0x2  }
0x189: {  	[tilespmem:s15], [sflag:$0x2] =	stream.linear.gather [hbm4b:s14+s2], $0x800, $0x38;
	[tilespmem:$0x18000] =	vst v63  }
0x18a: {  	s15 =	sld [smem:$0x7FA];
	_ =	sdelay $0x1  }
0x18b: {  	s18 =	sld [smem:$0x7FB]  }
0x18c: {  	[tilespmem:s29], [sflag:$0x2] =	stream.linear.gather [hbm4b:s15+s2], $0x1000, $0x38;
	[tilespmem:$0x18000] =	vst v63  }
0x18d: {  	s25 =	rddreg [dreg:$0x16]  }
0x18e: {  	[tilespmem:s31], [sflag:$0x2] =	stream.linear.gather [hbm4b:s18+s2], $0x1000, $0x38;
	[tilespmem:$0x18000] =	vst v63  }
0x18f: {  	s26 =	sld [smem:$0x7FC]  }
0x190: {  	[tilespmem:s0], [sflag:$0x2] =	stream.linear.gather [hbm4b:s25+s2], $0x1000, $0x38;
	[tilespmem:$0x18000] =	vst v63  }
0x191: {  	_ = 	snop  }
0x192: {  	[tilespmem:s1], [sflag:$0x2] =	stream.linear.gather [hbm4b:s26+s2], $0x800, $0x38;
	[tilespmem:$0x18000] =	vst v63  }
0x193: {  	_ =	swait.ge [sflag:s21], $0x8000  }
0x194: {  	s28 =	sld [smem:$0x7FD]  }
0x195: {  	[sflag:s21] =	ssyncset.done $0x0  }
0x196: {  	[sflag:s21] =	ssyncadd.s32 $0xFFFF8000  }
0x197: {  	[hbm4b:s28+s2] =	stream.linear.scatter [tilespmem:s6], [sflag:$0x6], $0x8000, $0x38;
	[tilespmem:$0x18000] =	vst v63  }
0x198: {  	_ =	swait.ge [sflag:s22], $0x8000  }
0x199: {  	[sflag:s22] =	ssyncset.done $0x0  }
0x19a: {  	[sflag:s22] =	ssyncadd.s32 $0xFFFF8000  }
0x19b: {  	_ =	swait.ge [sflag:s16], $0x8000  }
0x19c: {  	[sflag:s16] =	ssyncset.done $0x0  }
0x19d: {  	s29 =	rddreg [dreg:$0x17];
	[sflag:s16] =	ssyncadd.s32 $0xFFFF8000  }
0x19e: {  	[hbm4b:s29+s2] =	stream.linear.scatter [tilespmem:s2], [sflag:$0x4], $0x8000, $0x38;
	[tilespmem:$0x18000] =	vst v63  }
0x19f: {  	_ =	swait.ge [sflag:s17], $0x8000  }
0x1a0: {  	[sflag:s17] =	ssyncset.done $0x0  }
0x1a1: {  	[sflag:s17] =	ssyncadd.s32 $0xFFFF8000  }
0x1a2: {  	_ =	swait.ge [sflag:s19], $0x8000  }
0x1a3: {  	[sflag:s19] =	ssyncset.done $0x0  }
0x1a4: {  	s30 =	rddreg [dreg:$0x18];
	[sflag:s19] =	ssyncadd.s32 $0xFFFF8000  }
0x1a5: {  	[hbm4b:s30+s2] =	stream.linear.scatter [tilespmem:s23], [sflag:$0x5], $0x8000, $0x38;
	[tilespmem:$0x18000] =	vst v63  }
0x1a6: {  	_ =	swait.ge [sflag:s20], $0x8000  }
0x1a7: {  	s13 =	sld [smem:$0x7D6];
	_ =	sdelay $0x2  }
0x1a8: {  	s31 =	rddreg [dreg:$0x1b];
	s13 =	sadd.s32 $0x1, s13  }
0x1a9: {  	p0 =	sne.s32 s13, s31  }
.Ltmp1:
0x1aa: {  	s4 =	simm.s32 $0x12000;
	(pc) =	sbr.rel @p0 .LBB2_1-.Ltmp1, $4  }
0x1ab: {  	s3 =	simm.s32 $0x11800;
	s5 =	simm.s32 $0x12800;
	s7 =	simm.s32 $0x13000  }
0x1ac: {  	s8 =	simm.s32 $0x14000;
	s9 =	simm.s32 $0x14800;
	s10 =	simm.s32 $0x15800  }
0x1ad: {  	s11 =	simm.s32 $0x16800;
	s12 =	simm.s32 $0x17800;
	[sflag:s20] =	ssyncset.done $0x0  }
0x1ae: {  	s0 =	simm.s32 $0x10800;
	s1 =	simm.s32 $0x11000;
	[sflag:s20] =	ssyncadd.s32 $0xFFFF8000  }
0x1af: {  	_ =	sfence.sel $0x180000  }
0x1b0: {  	[bflag:$0x0] =	sbarrier.arrive $0xFFFF  }
0x1b1: {  	_ =	strace $0x90000047  }
0x1b2: {  	s0 =	stileid.u32;
	[bflag:$0x2] =	sbarrier.arrive $0xFFFF  }
0x1b3: {  	p0 =	sne.s32 s0, $0x0;
	s0 =	rddreg [dreg:$0x2]  }
0x1b4: {  	s0 =	sadd.s32 @!p0 $0x100000, s0  }
0x1b5: {  	[sflag:s0] =	ssyncadd.tile.s32 @!p0 $0x1;
	_ =	shalt  }
.Lfunc_end2:
_tile_overlayer_lowered:
.L_overlay_start_2:
0x1b6: {  	(tag) =	ssettag $0x2  }
0x1b7: {  	s0 =	rddreg [dreg:$0x0];
	s2 =	stileid.u32  }
0x1b8: {  	s1 =	rddreg [dreg:$0x1];
	p0 =	sne.s32 s2, $0x0  }
0x1b9: {  	s3 =	rddreg [dreg:$0x2];
	[bflag:$0x3] =	sbarrier.arrive $0xFFFF;
	s2 =	simm.s32 @!p0 $0x1C07  }
0x1ba: {  	[timem:s3], [sflag:s2] =	dma.local @!p0 [hbm:s0], s1  }
0x1bb: {  	s0 =	simm.s32 @!p0 $0x7  }
0x1bc: {  	_ =	swait.ge @!p0 [sflag:s0], s1  }
0x1bd: {  	s1 =	ssub.s32 @!p0 $0x0, s1;
	[sflag:s0] =	ssyncset.done @!p0 $0x0  }
0x1be: {  	[sflag:s0] =	ssyncadd.s32 @!p0 s1  }
0x1bf: {  	[bflag:$0x3] =	sbarrier.arrive $0xFFFF  }
0x1c0: {  	_ =	shalt  }

</sc_bundles>
